<compile_context>
chip_gen: v7x
topology: tpu7x:2x2x1
jax: 0.10.2.dev20260603
libtpu: 0.0.44.dev20260713+nightly
codegen_flags: <defaults>
</compile_context>

<pallas_src>
import functools

import jax
import jax.numpy as jnp
from jax import lax
from jax.experimental import pallas as pl
from jax.experimental.pallas import tpu as pltpu
from jax.experimental.pallas import tpu_sc as plsc

M = 100000
D = 128
B = 4096
H = 512
L = 16
NC = 2
NS = 16
NW = NC * NS
BPW = B // NW
NWIN = B // L
DECAY = 0.99


def _sc_body(mem_hbm, val_hbm, idx_hbm, sidx_hbm,
             g_hbm, v_hbm, m_hbm,
             table_v, idx_v, sidx_v, buf_v,
             sidxw_v, ocw_v, ow_v, mw_v, scr16_v,
             o_sh, sem, sem2, sem3, sem4):
    c = lax.axis_index("c")
    s = lax.axis_index("s")
    wid = s * NC + c
    base = wid * BPW
    lanes = lax.iota(jnp.int32, L)

    @pl.when(s == 0)
    def _prefetch():
        pltpu.async_copy(idx_hbm, idx_v, sem2)
        pltpu.async_copy(sidx_hbm, sidx_v, sem3)

    with jax.named_scope("g_gather"):
        pltpu.sync_copy(sidx_hbm.at[pl.ds(base, BPW)], sidxw_v)
        g_copy = pltpu.async_copy(mem_hbm.at[sidxw_v], buf_v, sem)

    @pl.when(s != 0)
    def _g_wait():
        with jax.named_scope("g_wait"):
            g_copy.wait()
            pltpu.async_copy(buf_v, g_hbm.at[pl.ds(base, BPW)], sem4)

    @pl.when(s == 0)
    def _join():
      with jax.named_scope("join"):
        pltpu.make_async_copy(idx_hbm, idx_v, sem2).wait()
        pltpu.make_async_copy(sidx_hbm, sidx_v, sem3).wait()

        U = 8
        shift1 = jnp.minimum(lanes + 1, L - 1)

        def scatter_blk(wb, carry):
            ws = [wb * U + j for j in range(U)]
            kvecs = [w * L + lanes for w in ws]
            iws = [idx_v[pl.ds(w * L, L)] for w in ws]
            sorts = [plsc.sort_key_val(iws[j] * B + kvecs[j], kvecs[j])
                     for j in range(U)]
            for j in range(U):
                scr16_v[pl.ds(j * L, L)] = sorts[j][0]
            nxts = [plsc.load_gather(scr16_v.at[pl.ds(j * L, L)], [shift1])
                    for j in range(U)]
            for j in range(U):
                ks, vs = sorts[j]
                win = jnp.logical_or(lanes == L - 1,
                                     (ks >> 12) != (nxts[j] >> 12))
                plsc.store_scatter(table_v, [ks >> 12], vs, mask=win)
            return carry

        lax.fori_loop(0, NWIN // U, scatter_blk, 0)

        def probe_blk(wb, carry):
            ws = [wb * U + j for j in range(U)]
            sws = [sidx_v[pl.ds(w * L, L)] for w in ws]
            os_ = [plsc.load_gather(table_v, [sw]) for sw in sws]
            ocs = [jnp.minimum(jnp.maximum(o, 0), B - 1) for o in os_]
            hits = [plsc.load_gather(idx_v, [oc]) for oc in ocs]
            for j in range(U):
                valid = ((os_[j] >= 0) & (os_[j] < B)
                         & (hits[j] == sws[j]))
                sidx_v[pl.ds(ws[j] * L, L)] = jnp.where(valid, os_[j], -1)
            return carry

        with jax.named_scope("g_late"):
            g_copy.wait()
            pltpu.async_copy(buf_v, g_hbm.at[pl.ds(base, BPW)], sem4)
        lax.fori_loop(0, NWIN // U, probe_blk, 0)
        pltpu.sync_copy(sidx_v, o_sh)

    with jax.named_scope("barrier"):
        plsc.subcore_barrier()

    with jax.named_scope("v_gather"):
        pltpu.sync_copy(o_sh.at[pl.ds(base, BPW)], ow_v)

        for w in range(BPW // L):
            ow = ow_v[pl.ds(w * L, L)]
            pos = base + w * L + lanes
            ocw_v[pl.ds(w * L, L)] = jnp.where(ow >= 0, ow, pos)
            mw_v[pl.ds(w * L, L)] = jnp.where(ow >= 0, 1.0, 0.0).astype(jnp.float32)

        pltpu.make_async_copy(
            buf_v, g_hbm.at[pl.ds(base, BPW)], sem4).wait()
        HB = BPW // 2
        c0 = pltpu.async_copy(
            val_hbm.at[ocw_v.at[pl.ds(0, HB)]], buf_v.at[pl.ds(0, HB)], sem)
        c1 = pltpu.async_copy(
            val_hbm.at[ocw_v.at[pl.ds(HB, HB)]],
            buf_v.at[pl.ds(HB, HB)], sem2)
        pltpu.sync_copy(mw_v, m_hbm.at[pl.ds(base, BPW)])
        c0.wait()
        f0 = pltpu.async_copy(
            buf_v.at[pl.ds(0, HB)], v_hbm.at[pl.ds(base, HB)], sem3)
        c1.wait()
        f1 = pltpu.async_copy(
            buf_v.at[pl.ds(HB, HB)], v_hbm.at[pl.ds(base + HB, HB)], sem4)
        f0.wait()
        f1.wait()


_sc_join_gather = functools.partial(
    pl.kernel,
    out_type=(
        jax.ShapeDtypeStruct((B, D), jnp.float32),
        jax.ShapeDtypeStruct((B, D), jnp.float32),
        jax.ShapeDtypeStruct((B,), jnp.float32),
    ),
    mesh=plsc.VectorSubcoreMesh(
        core_axis_name="c", subcore_axis_name="s",
        num_cores=NC, num_subcores=NS),
    scratch_types=[
        pltpu.VMEM((M,), jnp.int32),
        pltpu.VMEM((B,), jnp.int32),
        pltpu.VMEM((B,), jnp.int32),
        pltpu.VMEM((BPW, D), jnp.float32),
        pltpu.VMEM((BPW,), jnp.int32),
        pltpu.VMEM((BPW,), jnp.int32),
        pltpu.VMEM((BPW,), jnp.int32),
        pltpu.VMEM((BPW,), jnp.float32),
        pltpu.VMEM((8 * L,), jnp.int32),
        pltpu.VMEM_SHARED((B,), jnp.int32),
        pltpu.SemaphoreType.DMA,
        pltpu.SemaphoreType.DMA,
        pltpu.SemaphoreType.DMA,
        pltpu.SemaphoreType.DMA,
    ],
    compiler_params=pltpu.CompilerParams(needs_layout_passes=False),
)(_sc_body)


RB = B // 4


def _tc_body(g_ref, v_ref, m_ref, w1_ref, b1_ref, w2_ref, b2_ref, out_ref):
    r_iota = lax.broadcasted_iota(jnp.int32, (RB, 128), 0)
    c_iota = lax.broadcasted_iota(jnp.int32, (RB, 128), 1)
    blk = lax.broadcasted_iota(jnp.int32, (RB, RB // 128), 1)
    onehot_blk = ((r_iota[:, :RB // 128] >> 7) == blk).astype(jnp.float32)
    onehot_col = ((r_iota & 127) == c_iota).astype(jnp.float32)
    m2d = m_ref[...].reshape(RB // 128, 128)
    t1 = jnp.dot(onehot_blk, m2d, preferred_element_type=jnp.float32)
    m = jnp.dot(t1 * onehot_col, jnp.ones((128, 128), jnp.float32),
                preferred_element_type=jnp.float32)
    g = g_ref[...]
    replay = DECAY * g + m * (v_ref[...] - DECAY * g)
    h = jnp.maximum(
        jnp.dot(replay.astype(jnp.bfloat16),
                w1_ref[...].astype(jnp.bfloat16),
                preferred_element_type=jnp.float32)
        + b1_ref[...], 0.0)
    out_ref[...] = (
        jnp.dot(h.astype(jnp.bfloat16), w2_ref[...].astype(jnp.bfloat16),
                preferred_element_type=jnp.float32)
        + b2_ref[...])


_tc_mlp = pl.pallas_call(
    _tc_body,
    grid=(B // RB,),
    in_specs=[
        pl.BlockSpec((RB, D), lambda i: (i, 0)),
        pl.BlockSpec((RB, D), lambda i: (i, 0)),
        pl.BlockSpec((1, RB // 128, 128), lambda i: (i, 0, 0)),
        pl.BlockSpec((D, H), lambda i: (0, 0)),
        pl.BlockSpec((1, H), lambda i: (0, 0)),
        pl.BlockSpec((H, D), lambda i: (0, 0)),
        pl.BlockSpec((1, D), lambda i: (0, 0)),
    ],
    out_specs=pl.BlockSpec((RB, D), lambda i: (i, 0)),
    out_shape=jax.ShapeDtypeStruct((B, D), jnp.float32),
)


def kernel(mem, val, idx, sample_idx, W1, b1, W2, b2):
    g, v, m = _sc_join_gather(mem, val, idx, sample_idx)
    return _tc_mlp(g, v, m.reshape(B // RB, RB // 128, 128),
                   W1, b1.reshape(1, H), W2, b2.reshape(1, D))

# --- scband reference (transcript-rebuilt; emitter-appended) ---
"""Pipeline reference for scband-online-meta-learner-81965155877379 (READ-ONLY COPY).

The authoritative reference and input builder live on the scoring server;
editing this copy changes nothing except your own understanding.
"""

import jax, jax.numpy as jnp
import numpy as np

FORGETTING_FACTOR = 0.99

def setup_inputs(seed: int = 0) -> dict:
    key = jax.random.key(seed)
    ks = jax.random.split(key, 8)
    M, d, B, H = 100000, 128, 4096, 512
    mem = jax.random.normal(ks[0], (M, d), dtype=jnp.float32)
    val = jax.random.normal(ks[1], (B, d), dtype=jnp.float32)
    idx = jax.random.randint(ks[2], (B,), 0, M, dtype=jnp.int32)
    sample_idx = jax.random.randint(ks[3], (B,), 0, M, dtype=jnp.int32)
    W1 = jax.random.normal(ks[4], (d, H), dtype=jnp.float32) * (1.0 / np.sqrt(d))
    b1 = jnp.zeros((H,), dtype=jnp.float32)
    W2 = jax.random.normal(ks[5], (H, d), dtype=jnp.float32) * (1.0 / np.sqrt(H))
    b2 = jnp.zeros((d,), dtype=jnp.float32)
    return {"mem": mem, "val": val, "idx": idx, "sample_idx": sample_idx,
            "W1": W1, "b1": b1, "W2": W2, "b2": b2}

def reference(mem, val, idx, sample_idx, W1, b1, W2, b2):
    # 1) forgetting-factor decay of episodic memory (consolidation)
    mem_decayed = mem * FORGETTING_FACTOR
    # 2) reservoir-style overwrite of selected memory slots with new task examples
    mem_updated = mem_decayed.at[idx].set(val)
    # 3) experience-replay gather from updated memory bank
    replay = jnp.take(mem_updated, sample_idx, axis=0)
    # 4) online adaptation forward pass (inner-loop MLP on replayed batch)
    h = jax.nn.relu(replay @ W1 + b1)
    out = h @ W2 + b2
    return out

if __name__ == "__main__":
    import jax
    _d = setup_inputs()
    print(jax.jit(kernel)(*tuple(_d.values())))

</pallas_src>

<mosaic_0001>
#map = affine_map<(d0, d1) -> (0, 0)>
#map1 = affine_map<(d0, d1) -> (0)>
module attributes {stable_mosaic.version = 14 : i64} {
  func.func @_sc_body(%arg0: i32, %arg1: i32, %arg2: memref<100000x128xf32, #tpu.memory_space<hbm>>, %arg3: memref<4096x128xf32, #tpu.memory_space<hbm>>, %arg4: memref<4096xi32, #tpu.memory_space<hbm>>, %arg5: memref<4096xi32, #tpu.memory_space<hbm>>, %arg6: memref<4096x128xf32, #tpu.memory_space<hbm>>, %arg7: memref<4096x128xf32, #tpu.memory_space<hbm>>, %arg8: memref<4096xf32, #tpu.memory_space<hbm>>, %arg9: memref<100000xi32, #tpu.memory_space<vmem>>, %arg10: memref<4096xi32, #tpu.memory_space<vmem>>, %arg11: memref<4096xi32, #tpu.memory_space<vmem>>, %arg12: memref<128x128xf32, #tpu.memory_space<vmem>>, %arg13: memref<128xi32, #tpu.memory_space<vmem>>, %arg14: memref<128xi32, #tpu.memory_space<vmem>>, %arg15: memref<128xi32, #tpu.memory_space<vmem>>, %arg16: memref<128xf32, #tpu.memory_space<vmem>>, %arg17: memref<128xi32, #tpu.memory_space<vmem>>, %arg18: memref<4096xi32, #tpu.memory_space<vmem_shared>>, %arg19: memref<!tpu.dma_semaphore, #tpu.memory_space<semaphore_mem>>, %arg20: memref<!tpu.dma_semaphore, #tpu.memory_space<semaphore_mem>>, %arg21: memref<!tpu.dma_semaphore, #tpu.memory_space<semaphore_mem>>, %arg22: memref<!tpu.dma_semaphore, #tpu.memory_space<semaphore_mem>>) attributes {dimension_semantics = [#tpu.dimension_semantics<core_parallel>, #tpu.dimension_semantics<subcore_parallel>], iteration_bounds = array<i64: 2, 16>, scalar_prefetch = 0 : i64, scratch_operands = 14 : i64, tpu.core_type = #tpu.core_type<sc_vector_subcore>, window_params = [{transform_indices = #map}, {transform_indices = #map}, {transform_indices = #map1}, {transform_indices = #map1}, {transform_indices = #map}, {transform_indices = #map}, {transform_indices = #map1}]} {
    %mul3A = arith.constant 2 : i32
    %mul3A_0 = arith.muli %arg1, %mul3A : i32
    %add3A = arith.addi %mul3A_0, %arg0 : i32
    %mul3A_1 = arith.constant 128 : i32
    %mul3A_2 = arith.muli %add3A, %mul3A_1 : i32
    %iota3A = tpu.iota {dimensions = array<i32: 0>} : vector<16xi32>
    %eq3A = arith.constant 0 : i32
    %eq3A_3 = arith.cmpi eq, %arg1, %eq3A : i32
    %convert_element_type3A = arith.extui %eq3A_3 : i1 to i32
    %cond3A = arith.constant 0 : i32
    %cond3A_4 = arith.cmpi ne, %convert_element_type3A, %cond3A : i32
    scf.if %cond3A_4 {
      tpu.enqueue_dma source(%arg4 : memref<4096xi32, #tpu.memory_space<hbm>>) target(%arg10 : memref<4096xi32, #tpu.memory_space<vmem>>) target_semaphore(%arg20 : memref<!tpu.dma_semaphore, #tpu.memory_space<semaphore_mem>>)
      tpu.enqueue_dma source(%arg5 : memref<4096xi32, #tpu.memory_space<hbm>>) target(%arg11 : memref<4096xi32, #tpu.memory_space<vmem>>) target_semaphore(%arg21 : memref<!tpu.dma_semaphore, #tpu.memory_space<semaphore_mem>>)
    } else {
    }
    "tpu.trace_start"() <{level = 10 : i32, message = "g_gather"}> : () -> ()
    "tpu.region"() ({
      %run_scoped3A = tpu.sem_alloc : memref<!tpu.dma_semaphore, #tpu.memory_space<semaphore_mem>>
      %dma_start3A_263 = tpu.memref_slice %arg5[%mul3A_2] : memref<4096xi32, #tpu.memory_space<hbm>> -> memref<128xi32, #tpu.memory_space<hbm>>
      %dma_start3A_264 = tpu.memref_slice %arg5[%mul3A_2] : memref<4096xi32, #tpu.memory_space<hbm>> -> memref<128xi32, #tpu.memory_space<hbm>>
      tpu.enqueue_dma source(%dma_start3A_264 : memref<128xi32, #tpu.memory_space<hbm>>) target(%arg13 : memref<128xi32, #tpu.memory_space<vmem>>) target_semaphore(%run_scoped3A : memref<!tpu.dma_semaphore, #tpu.memory_space<semaphore_mem>>)
      %dma_wait3A_265 = tpu.memref_slice %arg5[%mul3A_2] : memref<4096xi32, #tpu.memory_space<hbm>> -> memref<128xi32, #tpu.memory_space<hbm>>
      %dma_wait3A_266 = tpu.memref_slice %arg5[%mul3A_2] : memref<4096xi32, #tpu.memory_space<hbm>> -> memref<128xi32, #tpu.memory_space<hbm>>
      tpu.wait_dma2 semaphore(%run_scoped3A : memref<!tpu.dma_semaphore, #tpu.memory_space<semaphore_mem>>) src(%dma_wait3A_266 : memref<128xi32, #tpu.memory_space<hbm>>) dst(%arg13 : memref<128xi32, #tpu.memory_space<vmem>>)
      tpu.yield
    }) : () -> ()
    %dma_start3A = arith.constant 0 : i32
    %dma_start3A_5 = arith.constant 0 : i32
    %dma_start3A_6 = tpu.memref_slice %arg2[%dma_start3A, %dma_start3A_5] : memref<100000x128xf32, #tpu.memory_space<hbm>> -> memref<100000x128xf32, #tpu.memory_space<hbm>>
    tpu.enqueue_indirect_dma source(%dma_start3A_6 : memref<100000x128xf32, #tpu.memory_space<hbm>>) target(%arg12 : memref<128x128xf32, #tpu.memory_space<vmem>>) offsets(%arg13 : memref<128xi32, #tpu.memory_space<vmem>>) semaphore(%arg19 : memref<!tpu.dma_semaphore, #tpu.memory_space<semaphore_mem>>)
    %ne3A = arith.constant 0 : i32
    "tpu.trace_stop"() : () -> ()
    %ne3A_7 = arith.cmpi ne, %arg1, %ne3A : i32
    %convert_element_type3A_8 = arith.extui %ne3A_7 : i1 to i32
    %cond3A_9 = arith.constant 0 : i32
    %cond3A_10 = arith.cmpi ne, %convert_element_type3A_8, %cond3A_9 : i32
    scf.if %cond3A_10 {
      "tpu.trace_start"() <{level = 10 : i32, message = "g_wait"}> : () -> ()
      %dma_wait3A_263 = arith.constant 0 : i32
      %dma_wait3A_264 = arith.constant 0 : i32
      %dma_wait3A_265 = tpu.memref_slice %arg2[%dma_wait3A_263, %dma_wait3A_264] : memref<100000x128xf32, #tpu.memory_space<hbm>> -> memref<100000x128xf32, #tpu.memory_space<hbm>>
      tpu.wait_indirect_dma semaphore(%arg19 : memref<!tpu.dma_semaphore, #tpu.memory_space<semaphore_mem>>) src(%dma_wait3A_265 : memref<100000x128xf32, #tpu.memory_space<hbm>>) dst(%arg12 : memref<128x128xf32, #tpu.memory_space<vmem>>)
      %dma_start3A_266 = arith.constant 0 : i32
      %dma_start3A_267 = tpu.memref_slice %arg6[%mul3A_2, %dma_start3A_266] : memref<4096x128xf32, #tpu.memory_space<hbm>> -> memref<128x128xf32, #tpu.memory_space<hbm>>
      %dma_start3A_268 = arith.constant 0 : i32
      %dma_start3A_269 = tpu.memref_slice %arg6[%mul3A_2, %dma_start3A_268] : memref<4096x128xf32, #tpu.memory_space<hbm>> -> memref<128x128xf32, #tpu.memory_space<hbm>>
      tpu.enqueue_dma source(%arg12 : memref<128x128xf32, #tpu.memory_space<vmem>>) target(%dma_start3A_269 : memref<128x128xf32, #tpu.memory_space<hbm>>) target_semaphore(%arg22 : memref<!tpu.dma_semaphore, #tpu.memory_space<semaphore_mem>>)
      "tpu.trace_stop"() : () -> ()
    } else {
    }
    %eq3A_11 = arith.constant 0 : i32
    %eq3A_12 = arith.cmpi eq, %arg1, %eq3A_11 : i32
    %convert_element_type3A_13 = arith.extui %eq3A_12 : i1 to i32
    %cond3A_14 = arith.constant 0 : i32
    %cond3A_15 = arith.cmpi ne, %convert_element_type3A_13, %cond3A_14 : i32
    scf.if %cond3A_15 {
      "tpu.trace_start"() <{level = 10 : i32, message = "join"}> : () -> ()
      tpu.wait_dma2 semaphore(%arg20 : memref<!tpu.dma_semaphore, #tpu.memory_space<semaphore_mem>>) src(%arg4 : memref<4096xi32, #tpu.memory_space<hbm>>) dst(%arg10 : memref<4096xi32, #tpu.memory_space<vmem>>)
      tpu.wait_dma2 semaphore(%arg21 : memref<!tpu.dma_semaphore, #tpu.memory_space<semaphore_mem>>) src(%arg5 : memref<4096xi32, #tpu.memory_space<hbm>>) dst(%arg11 : memref<4096xi32, #tpu.memory_space<vmem>>)
      %add3A_263 = arith.constant 1 : i32
      %add3A_264 = vector.broadcast %add3A_263 : i32 to vector<16xi32>
      %add3A_265 = arith.addi %iota3A, %add3A_264 : vector<16xi32>
      %min3A = arith.constant 15 : i32
      %min3A_266 = vector.broadcast %min3A : i32 to vector<16xi32>
      %min3A_267 = arith.minsi %add3A_265, %min3A_266 : vector<16xi32>
      %scan3A = arith.constant 0 : i32
      %scan3A_268 = arith.constant 0 : i32
      %scan3A_269 = arith.constant 32 : i32
      %scan3A_270 = arith.addi %scan3A_268, %scan3A_269 : i32
      %scan3A_271 = arith.constant 1 : i32
      scf.for %scan3A_286 = %scan3A_268 to %scan3A_270 step %scan3A_271  : i32 {
        %mul3A_287 = arith.constant 8 : i32
        %mul3A_288 = arith.muli %scan3A_286, %mul3A_287 : i32
        %add3A_289 = arith.constant 0 : i32
        %add3A_290 = arith.addi %mul3A_288, %add3A_289 : i32
        %mul3A_291 = arith.constant 8 : i32
        %mul3A_292 = arith.muli %scan3A_286, %mul3A_291 : i32
        %add3A_293 = arith.constant 1 : i32
        %add3A_294 = arith.addi %mul3A_292, %add3A_293 : i32
        %mul3A_295 = arith.constant 8 : i32
        %mul3A_296 = arith.muli %scan3A_286, %mul3A_295 : i32
        %add3A_297 = arith.constant 2 : i32
        %add3A_298 = arith.addi %mul3A_296, %add3A_297 : i32
        %mul3A_299 = arith.constant 8 : i32
        %mul3A_300 = arith.muli %scan3A_286, %mul3A_299 : i32
        %add3A_301 = arith.constant 3 : i32
        %add3A_302 = arith.addi %mul3A_300, %add3A_301 : i32
        %mul3A_303 = arith.constant 8 : i32
        %mul3A_304 = arith.muli %scan3A_286, %mul3A_303 : i32
        %add3A_305 = arith.constant 4 : i32
        %add3A_306 = arith.addi %mul3A_304, %add3A_305 : i32
        %mul3A_307 = arith.constant 8 : i32
        %mul3A_308 = arith.muli %scan3A_286, %mul3A_307 : i32
        %add3A_309 = arith.constant 5 : i32
        %add3A_310 = arith.addi %mul3A_308, %add3A_309 : i32
        %mul3A_311 = arith.constant 8 : i32
        %mul3A_312 = arith.muli %scan3A_286, %mul3A_311 : i32
        %add3A_313 = arith.constant 6 : i32
        %add3A_314 = arith.addi %mul3A_312, %add3A_313 : i32
        %mul3A_315 = arith.constant 8 : i32
        %mul3A_316 = arith.muli %scan3A_286, %mul3A_315 : i32
        %add3A_317 = arith.constant 7 : i32
        %add3A_318 = arith.addi %mul3A_316, %add3A_317 : i32
        %mul3A_319 = arith.constant 16 : i32
        %mul3A_320 = arith.muli %add3A_290, %mul3A_319 : i32
        %add3A_321 = vector.broadcast %mul3A_320 : i32 to vector<16xi32>
        %add3A_322 = arith.addi %add3A_321, %iota3A : vector<16xi32>
        %mul3A_323 = arith.constant 16 : i32
        %mul3A_324 = arith.muli %add3A_294, %mul3A_323 : i32
        %add3A_325 = vector.broadcast %mul3A_324 : i32 to vector<16xi32>
        %add3A_326 = arith.addi %add3A_325, %iota3A : vector<16xi32>
        %mul3A_327 = arith.constant 16 : i32
        %mul3A_328 = arith.muli %add3A_298, %mul3A_327 : i32
        %add3A_329 = vector.broadcast %mul3A_328 : i32 to vector<16xi32>
        %add3A_330 = arith.addi %add3A_329, %iota3A : vector<16xi32>
        %mul3A_331 = arith.constant 16 : i32
        %mul3A_332 = arith.muli %add3A_302, %mul3A_331 : i32
        %add3A_333 = vector.broadcast %mul3A_332 : i32 to vector<16xi32>
        %add3A_334 = arith.addi %add3A_333, %iota3A : vector<16xi32>
        %mul3A_335 = arith.constant 16 : i32
        %mul3A_336 = arith.muli %add3A_306, %mul3A_335 : i32
        %add3A_337 = vector.broadcast %mul3A_336 : i32 to vector<16xi32>
        %add3A_338 = arith.addi %add3A_337, %iota3A : vector<16xi32>
        %mul3A_339 = arith.constant 16 : i32
        %mul3A_340 = arith.muli %add3A_310, %mul3A_339 : i32
        %add3A_341 = vector.broadcast %mul3A_340 : i32 to vector<16xi32>
        %add3A_342 = arith.addi %add3A_341, %iota3A : vector<16xi32>
        %mul3A_343 = arith.constant 16 : i32
        %mul3A_344 = arith.muli %add3A_314, %mul3A_343 : i32
        %add3A_345 = vector.broadcast %mul3A_344 : i32 to vector<16xi32>
        %add3A_346 = arith.addi %add3A_345, %iota3A : vector<16xi32>
        %mul3A_347 = arith.constant 16 : i32
        %mul3A_348 = arith.muli %add3A_318, %mul3A_347 : i32
        %add3A_349 = vector.broadcast %mul3A_348 : i32 to vector<16xi32>
        %add3A_350 = arith.addi %add3A_349, %iota3A : vector<16xi32>
        %mul3A_351 = arith.constant 16 : i32
        %mul3A_352 = arith.muli %add3A_290, %mul3A_351 : i32
        %get3A_353 = arith.index_cast %mul3A_352 : i32 to index
        %get3A_354 = tpu.vector_load %arg10[%get3A_353] {strides = array<i32>} : memref<4096xi32, #tpu.memory_space<vmem>>, vector<16xi32>,
        %mul3A_355 = arith.constant 16 : i32
        %mul3A_356 = arith.muli %add3A_294, %mul3A_355 : i32
        %get3A_357 = arith.index_cast %mul3A_356 : i32 to index
        %get3A_358 = tpu.vector_load %arg10[%get3A_357] {strides = array<i32>} : memref<4096xi32, #tpu.memory_space<vmem>>, vector<16xi32>,
        %mul3A_359 = arith.constant 16 : i32
        %mul3A_360 = arith.muli %add3A_298, %mul3A_359 : i32
        %get3A_361 = arith.index_cast %mul3A_360 : i32 to index
        %get3A_362 = tpu.vector_load %arg10[%get3A_361] {strides = array<i32>} : memref<4096xi32, #tpu.memory_space<vmem>>, vector<16xi32>,
        %mul3A_363 = arith.constant 16 : i32
        %mul3A_364 = arith.muli %add3A_302, %mul3A_363 : i32
        %get3A_365 = arith.index_cast %mul3A_364 : i32 to index
        %get3A_366 = tpu.vector_load %arg10[%get3A_365] {strides = array<i32>} : memref<4096xi32, #tpu.memory_space<vmem>>, vector<16xi32>,
        %mul3A_367 = arith.constant 16 : i32
        %mul3A_368 = arith.muli %add3A_306, %mul3A_367 : i32
        %get3A_369 = arith.index_cast %mul3A_368 : i32 to index
        %get3A_370 = tpu.vector_load %arg10[%get3A_369] {strides = array<i32>} : memref<4096xi32, #tpu.memory_space<vmem>>, vector<16xi32>,
        %mul3A_371 = arith.constant 16 : i32
        %mul3A_372 = arith.muli %add3A_310, %mul3A_371 : i32
        %get3A_373 = arith.index_cast %mul3A_372 : i32 to index
        %get3A_374 = tpu.vector_load %arg10[%get3A_373] {strides = array<i32>} : memref<4096xi32, #tpu.memory_space<vmem>>, vector<16xi32>,
        %mul3A_375 = arith.constant 16 : i32
        %mul3A_376 = arith.muli %add3A_314, %mul3A_375 : i32
        %get3A_377 = arith.index_cast %mul3A_376 : i32 to index
        %get3A_378 = tpu.vector_load %arg10[%get3A_377] {strides = array<i32>} : memref<4096xi32, #tpu.memory_space<vmem>>, vector<16xi32>,
        %mul3A_379 = arith.constant 16 : i32
        %mul3A_380 = arith.muli %add3A_318, %mul3A_379 : i32
        %get3A_381 = arith.index_cast %mul3A_380 : i32 to index
        %get3A_382 = tpu.vector_load %arg10[%get3A_381] {strides = array<i32>} : memref<4096xi32, #tpu.memory_space<vmem>>, vector<16xi32>,
        %mul3A_383 = arith.constant 4096 : i32
        %mul3A_384 = vector.broadcast %mul3A_383 : i32 to vector<16xi32>
        %mul3A_385 = arith.muli %get3A_354, %mul3A_384 : vector<16xi32>
        %add3A_386 = arith.addi %mul3A_385, %add3A_322 : vector<16xi32>
        %masked_sort3A = arith.constant dense<true> : vector<16xi1>
        %masked_sort3A_387 = arith.constant -2147483648 : i32
        %masked_sort3A_388 = vector.broadcast %masked_sort3A_387 : i32 to vector<16xi32>
        %masked_sort3A_389 = arith.xori %add3A_386, %masked_sort3A_388 : vector<16xi32>
        %masked_sort3A_390, %masked_sort3A_391, %masked_sort3A_392 = tpu.sort %masked_sort3A_389, %add3A_322 masked %masked_sort3A : (vector<16xi32>, vector<16xi32>, vector<16xi1>) -> (vector<16xi1>, vector<16xi32>, vector<16xi32>)
        %masked_sort3A_393 = arith.xori %masked_sort3A_391, %masked_sort3A_388 : vector<16xi32>
        %mul3A_394 = arith.constant 4096 : i32
        %mul3A_395 = vector.broadcast %mul3A_394 : i32 to vector<16xi32>
        %mul3A_396 = arith.muli %get3A_358, %mul3A_395 : vector<16xi32>
        %add3A_397 = arith.addi %mul3A_396, %add3A_326 : vector<16xi32>
        %masked_sort3A_398 = arith.constant dense<true> : vector<16xi1>
        %masked_sort3A_399 = arith.constant -2147483648 : i32
        %masked_sort3A_400 = vector.broadcast %masked_sort3A_399 : i32 to vector<16xi32>
        %masked_sort3A_401 = arith.xori %add3A_397, %masked_sort3A_400 : vector<16xi32>
        %masked_sort3A_402, %masked_sort3A_403, %masked_sort3A_404 = tpu.sort %masked_sort3A_401, %add3A_326 masked %masked_sort3A_398 : (vector<16xi32>, vector<16xi32>, vector<16xi1>) -> (vector<16xi1>, vector<16xi32>, vector<16xi32>)
        %masked_sort3A_405 = arith.xori %masked_sort3A_403, %masked_sort3A_400 : vector<16xi32>
        %mul3A_406 = arith.constant 4096 : i32
        %mul3A_407 = vector.broadcast %mul3A_406 : i32 to vector<16xi32>
        %mul3A_408 = arith.muli %get3A_362, %mul3A_407 : vector<16xi32>
        %add3A_409 = arith.addi %mul3A_408, %add3A_330 : vector<16xi32>
        %masked_sort3A_410 = arith.constant dense<true> : vector<16xi1>
        %masked_sort3A_411 = arith.constant -2147483648 : i32
        %masked_sort3A_412 = vector.broadcast %masked_sort3A_411 : i32 to vector<16xi32>
        %masked_sort3A_413 = arith.xori %add3A_409, %masked_sort3A_412 : vector<16xi32>
        %masked_sort3A_414, %masked_sort3A_415, %masked_sort3A_416 = tpu.sort %masked_sort3A_413, %add3A_330 masked %masked_sort3A_410 : (vector<16xi32>, vector<16xi32>, vector<16xi1>) -> (vector<16xi1>, vector<16xi32>, vector<16xi32>)
        %masked_sort3A_417 = arith.xori %masked_sort3A_415, %masked_sort3A_412 : vector<16xi32>
        %mul3A_418 = arith.constant 4096 : i32
        %mul3A_419 = vector.broadcast %mul3A_418 : i32 to vector<16xi32>
        %mul3A_420 = arith.muli %get3A_366, %mul3A_419 : vector<16xi32>
        %add3A_421 = arith.addi %mul3A_420, %add3A_334 : vector<16xi32>
        %masked_sort3A_422 = arith.constant dense<true> : vector<16xi1>
        %masked_sort3A_423 = arith.constant -2147483648 : i32
        %masked_sort3A_424 = vector.broadcast %masked_sort3A_423 : i32 to vector<16xi32>
        %masked_sort3A_425 = arith.xori %add3A_421, %masked_sort3A_424 : vector<16xi32>
        %masked_sort3A_426, %masked_sort3A_427, %masked_sort3A_428 = tpu.sort %masked_sort3A_425, %add3A_334 masked %masked_sort3A_422 : (vector<16xi32>, vector<16xi32>, vector<16xi1>) -> (vector<16xi1>, vector<16xi32>, vector<16xi32>)
        %masked_sort3A_429 = arith.xori %masked_sort3A_427, %masked_sort3A_424 : vector<16xi32>
        %mul3A_430 = arith.constant 4096 : i32
        %mul3A_431 = vector.broadcast %mul3A_430 : i32 to vector<16xi32>
        %mul3A_432 = arith.muli %get3A_370, %mul3A_431 : vector<16xi32>
        %add3A_433 = arith.addi %mul3A_432, %add3A_338 : vector<16xi32>
        %masked_sort3A_434 = arith.constant dense<true> : vector<16xi1>
        %masked_sort3A_435 = arith.constant -2147483648 : i32
        %masked_sort3A_436 = vector.broadcast %masked_sort3A_435 : i32 to vector<16xi32>
        %masked_sort3A_437 = arith.xori %add3A_433, %masked_sort3A_436 : vector<16xi32>
        %masked_sort3A_438, %masked_sort3A_439, %masked_sort3A_440 = tpu.sort %masked_sort3A_437, %add3A_338 masked %masked_sort3A_434 : (vector<16xi32>, vector<16xi32>, vector<16xi1>) -> (vector<16xi1>, vector<16xi32>, vector<16xi32>)
        %masked_sort3A_441 = arith.xori %masked_sort3A_439, %masked_sort3A_436 : vector<16xi32>
        %mul3A_442 = arith.constant 4096 : i32
        %mul3A_443 = vector.broadcast %mul3A_442 : i32 to vector<16xi32>
        %mul3A_444 = arith.muli %get3A_374, %mul3A_443 : vector<16xi32>
        %add3A_445 = arith.addi %mul3A_444, %add3A_342 : vector<16xi32>
        %masked_sort3A_446 = arith.constant dense<true> : vector<16xi1>
        %masked_sort3A_447 = arith.constant -2147483648 : i32
        %masked_sort3A_448 = vector.broadcast %masked_sort3A_447 : i32 to vector<16xi32>
        %masked_sort3A_449 = arith.xori %add3A_445, %masked_sort3A_448 : vector<16xi32>
        %masked_sort3A_450, %masked_sort3A_451, %masked_sort3A_452 = tpu.sort %masked_sort3A_449, %add3A_342 masked %masked_sort3A_446 : (vector<16xi32>, vector<16xi32>, vector<16xi1>) -> (vector<16xi1>, vector<16xi32>, vector<16xi32>)
        %masked_sort3A_453 = arith.xori %masked_sort3A_451, %masked_sort3A_448 : vector<16xi32>
        %mul3A_454 = arith.constant 4096 : i32
        %mul3A_455 = vector.broadcast %mul3A_454 : i32 to vector<16xi32>
        %mul3A_456 = arith.muli %get3A_378, %mul3A_455 : vector<16xi32>
        %add3A_457 = arith.addi %mul3A_456, %add3A_346 : vector<16xi32>
        %masked_sort3A_458 = arith.constant dense<true> : vector<16xi1>
        %masked_sort3A_459 = arith.constant -2147483648 : i32
        %masked_sort3A_460 = vector.broadcast %masked_sort3A_459 : i32 to vector<16xi32>
        %masked_sort3A_461 = arith.xori %add3A_457, %masked_sort3A_460 : vector<16xi32>
        %masked_sort3A_462, %masked_sort3A_463, %masked_sort3A_464 = tpu.sort %masked_sort3A_461, %add3A_346 masked %masked_sort3A_458 : (vector<16xi32>, vector<16xi32>, vector<16xi1>) -> (vector<16xi1>, vector<16xi32>, vector<16xi32>)
        %masked_sort3A_465 = arith.xori %masked_sort3A_463, %masked_sort3A_460 : vector<16xi32>
        %mul3A_466 = arith.constant 4096 : i32
        %mul3A_467 = vector.broadcast %mul3A_466 : i32 to vector<16xi32>
        %mul3A_468 = arith.muli %get3A_382, %mul3A_467 : vector<16xi32>
        %add3A_469 = arith.addi %mul3A_468, %add3A_350 : vector<16xi32>
        %masked_sort3A_470 = arith.constant dense<true> : vector<16xi1>
        %masked_sort3A_471 = arith.constant -2147483648 : i32
        %masked_sort3A_472 = vector.broadcast %masked_sort3A_471 : i32 to vector<16xi32>
        %masked_sort3A_473 = arith.xori %add3A_469, %masked_sort3A_472 : vector<16xi32>
        %masked_sort3A_474, %masked_sort3A_475, %masked_sort3A_476 = tpu.sort %masked_sort3A_473, %add3A_350 masked %masked_sort3A_470 : (vector<16xi32>, vector<16xi32>, vector<16xi1>) -> (vector<16xi1>, vector<16xi32>, vector<16xi32>)
        %masked_sort3A_477 = arith.xori %masked_sort3A_475, %masked_sort3A_472 : vector<16xi32>
        %swap3A_478 = arith.constant 0 : index
        %swap3A_479 = tpu.vector_load %arg17[%swap3A_478] {strides = array<i32>} : memref<128xi32, #tpu.memory_space<vmem>>, vector<16xi32>,
        tpu.vector_store %arg17[%swap3A_478], %masked_sort3A_393 {strides = array<i32>} : memref<128xi32, #tpu.memory_space<vmem>>, vector<16xi32>,
        %swap3A_480 = arith.constant 16 : index
        %swap3A_481 = tpu.vector_load %arg17[%swap3A_480] {strides = array<i32>} : memref<128xi32, #tpu.memory_space<vmem>>, vector<16xi32>,
        tpu.vector_store %arg17[%swap3A_480], %masked_sort3A_405 {strides = array<i32>} : memref<128xi32, #tpu.memory_space<vmem>>, vector<16xi32>,
        %swap3A_482 = arith.constant 32 : index
        %swap3A_483 = tpu.vector_load %arg17[%swap3A_482] {strides = array<i32>} : memref<128xi32, #tpu.memory_space<vmem>>, vector<16xi32>,
        tpu.vector_store %arg17[%swap3A_482], %masked_sort3A_417 {strides = array<i32>} : memref<128xi32, #tpu.memory_space<vmem>>, vector<16xi32>,
        %swap3A_484 = arith.constant 48 : index
        %swap3A_485 = tpu.vector_load %arg17[%swap3A_484] {strides = array<i32>} : memref<128xi32, #tpu.memory_space<vmem>>, vector<16xi32>,
        tpu.vector_store %arg17[%swap3A_484], %masked_sort3A_429 {strides = array<i32>} : memref<128xi32, #tpu.memory_space<vmem>>, vector<16xi32>,
        %swap3A_486 = arith.constant 64 : index
        %swap3A_487 = tpu.vector_load %arg17[%swap3A_486] {strides = array<i32>} : memref<128xi32, #tpu.memory_space<vmem>>, vector<16xi32>,
        tpu.vector_store %arg17[%swap3A_486], %masked_sort3A_441 {strides = array<i32>} : memref<128xi32, #tpu.memory_space<vmem>>, vector<16xi32>,
        %swap3A_488 = arith.constant 80 : index
        %swap3A_489 = tpu.vector_load %arg17[%swap3A_488] {strides = array<i32>} : memref<128xi32, #tpu.memory_space<vmem>>, vector<16xi32>,
        tpu.vector_store %arg17[%swap3A_488], %masked_sort3A_453 {strides = array<i32>} : memref<128xi32, #tpu.memory_space<vmem>>, vector<16xi32>,
        %swap3A_490 = arith.constant 96 : index
        %swap3A_491 = tpu.vector_load %arg17[%swap3A_490] {strides = array<i32>} : memref<128xi32, #tpu.memory_space<vmem>>, vector<16xi32>,
        tpu.vector_store %arg17[%swap3A_490], %masked_sort3A_465 {strides = array<i32>} : memref<128xi32, #tpu.memory_space<vmem>>, vector<16xi32>,
        %swap3A_492 = arith.constant 112 : index
        %swap3A_493 = tpu.vector_load %arg17[%swap3A_492] {strides = array<i32>} : memref<128xi32, #tpu.memory_space<vmem>>, vector<16xi32>,
        tpu.vector_store %arg17[%swap3A_492], %masked_sort3A_477 {strides = array<i32>} : memref<128xi32, #tpu.memory_space<vmem>>, vector<16xi32>,
        %gather3A = arith.constant 0 : i32
        %gather3A_494 = tpu.memref_slice %arg17[%gather3A] : memref<128xi32, #tpu.memory_space<vmem>> -> memref<16xi32, #tpu.memory_space<vmem>>
        %gather3A_495 = tpu.vector_load_idx %gather3A_494[%min3A_267] : memref<16xi32, #tpu.memory_space<vmem>>[vector<16xi32>], vector<16xi32>,
        %gather3A_496 = arith.constant 16 : i32
        %gather3A_497 = tpu.memref_slice %arg17[%gather3A_496] : memref<128xi32, #tpu.memory_space<vmem>> -> memref<16xi32, #tpu.memory_space<vmem>>
        %gather3A_498 = tpu.vector_load_idx %gather3A_497[%min3A_267] : memref<16xi32, #tpu.memory_space<vmem>>[vector<16xi32>], vector<16xi32>,
        %gather3A_499 = arith.constant 32 : i32
        %gather3A_500 = tpu.memref_slice %arg17[%gather3A_499] : memref<128xi32, #tpu.memory_space<vmem>> -> memref<16xi32, #tpu.memory_space<vmem>>
        %gather3A_501 = tpu.vector_load_idx %gather3A_500[%min3A_267] : memref<16xi32, #tpu.memory_space<vmem>>[vector<16xi32>], vector<16xi32>,
        %gather3A_502 = arith.constant 48 : i32
        %gather3A_503 = tpu.memref_slice %arg17[%gather3A_502] : memref<128xi32, #tpu.memory_space<vmem>> -> memref<16xi32, #tpu.memory_space<vmem>>
        %gather3A_504 = tpu.vector_load_idx %gather3A_503[%min3A_267] : memref<16xi32, #tpu.memory_space<vmem>>[vector<16xi32>], vector<16xi32>,
        %gather3A_505 = arith.constant 64 : i32
        %gather3A_506 = tpu.memref_slice %arg17[%gather3A_505] : memref<128xi32, #tpu.memory_space<vmem>> -> memref<16xi32, #tpu.memory_space<vmem>>
        %gather3A_507 = tpu.vector_load_idx %gather3A_506[%min3A_267] : memref<16xi32, #tpu.memory_space<vmem>>[vector<16xi32>], vector<16xi32>,
        %gather3A_508 = arith.constant 80 : i32
        %gather3A_509 = tpu.memref_slice %arg17[%gather3A_508] : memref<128xi32, #tpu.memory_space<vmem>> -> memref<16xi32, #tpu.memory_space<vmem>>
        %gather3A_510 = tpu.vector_load_idx %gather3A_509[%min3A_267] : memref<16xi32, #tpu.memory_space<vmem>>[vector<16xi32>], vector<16xi32>,
        %gather3A_511 = arith.constant 96 : i32
        %gather3A_512 = tpu.memref_slice %arg17[%gather3A_511] : memref<128xi32, #tpu.memory_space<vmem>> -> memref<16xi32, #tpu.memory_space<vmem>>
        %gather3A_513 = tpu.vector_load_idx %gather3A_512[%min3A_267] : memref<16xi32, #tpu.memory_space<vmem>>[vector<16xi32>], vector<16xi32>,
        %gather3A_514 = arith.constant 112 : i32
        %gather3A_515 = tpu.memref_slice %arg17[%gather3A_514] : memref<128xi32, #tpu.memory_space<vmem>> -> memref<16xi32, #tpu.memory_space<vmem>>
        %gather3A_516 = tpu.vector_load_idx %gather3A_515[%min3A_267] : memref<16xi32, #tpu.memory_space<vmem>>[vector<16xi32>], vector<16xi32>,
        %eq3A_517 = arith.constant 15 : i32
        %eq3A_518 = vector.broadcast %eq3A_517 : i32 to vector<16xi32>
        %eq3A_519 = arith.cmpi eq, %iota3A, %eq3A_518 : vector<16xi32>
        %shift_right_arithmetic3A = arith.constant 12 : i32
        %shift_right_arithmetic3A_520 = vector.broadcast %shift_right_arithmetic3A : i32 to vector<16xi32>
        %shift_right_arithmetic3A_521 = arith.shrsi %masked_sort3A_393, %shift_right_arithmetic3A_520 : vector<16xi32>
        %shift_right_arithmetic3A_522 = arith.constant 12 : i32
        %shift_right_arithmetic3A_523 = vector.broadcast %shift_right_arithmetic3A_522 : i32 to vector<16xi32>
        %shift_right_arithmetic3A_524 = arith.shrsi %gather3A_495, %shift_right_arithmetic3A_523 : vector<16xi32>
        %ne3A_525 = arith.cmpi ne, %shift_right_arithmetic3A_521, %shift_right_arithmetic3A_524 : vector<16xi32>
        %or3A = arith.ori %eq3A_519, %ne3A_525 : vector<16xi1>
        %shift_right_arithmetic3A_526 = arith.constant 12 : i32
        %shift_right_arithmetic3A_527 = vector.broadcast %shift_right_arithmetic3A_526 : i32 to vector<16xi32>
        %shift_right_arithmetic3A_528 = arith.shrsi %masked_sort3A_393, %shift_right_arithmetic3A_527 : vector<16xi32>
        tpu.vector_store_idx %arg9[%shift_right_arithmetic3A_528], %masked_sort3A_392 masked %or3A : memref<100000xi32, #tpu.memory_space<vmem>>[vector<16xi32>], vector<16xi32>, vector<16xi1>
        %eq3A_529 = arith.constant 15 : i32
        %eq3A_530 = vector.broadcast %eq3A_529 : i32 to vector<16xi32>
        %eq3A_531 = arith.cmpi eq, %iota3A, %eq3A_530 : vector<16xi32>
        %shift_right_arithmetic3A_532 = arith.constant 12 : i32
        %shift_right_arithmetic3A_533 = vector.broadcast %shift_right_arithmetic3A_532 : i32 to vector<16xi32>
        %shift_right_arithmetic3A_534 = arith.shrsi %masked_sort3A_405, %shift_right_arithmetic3A_533 : vector<16xi32>
        %shift_right_arithmetic3A_535 = arith.constant 12 : i32
        %shift_right_arithmetic3A_536 = vector.broadcast %shift_right_arithmetic3A_535 : i32 to vector<16xi32>
        %shift_right_arithmetic3A_537 = arith.shrsi %gather3A_498, %shift_right_arithmetic3A_536 : vector<16xi32>
        %ne3A_538 = arith.cmpi ne, %shift_right_arithmetic3A_534, %shift_right_arithmetic3A_537 : vector<16xi32>
        %or3A_539 = arith.ori %eq3A_531, %ne3A_538 : vector<16xi1>
        %shift_right_arithmetic3A_540 = arith.constant 12 : i32
        %shift_right_arithmetic3A_541 = vector.broadcast %shift_right_arithmetic3A_540 : i32 to vector<16xi32>
        %shift_right_arithmetic3A_542 = arith.shrsi %masked_sort3A_405, %shift_right_arithmetic3A_541 : vector<16xi32>
        tpu.vector_store_idx %arg9[%shift_right_arithmetic3A_542], %masked_sort3A_404 masked %or3A_539 : memref<100000xi32, #tpu.memory_space<vmem>>[vector<16xi32>], vector<16xi32>, vector<16xi1>
        %eq3A_543 = arith.constant 15 : i32
        %eq3A_544 = vector.broadcast %eq3A_543 : i32 to vector<16xi32>
        %eq3A_545 = arith.cmpi eq, %iota3A, %eq3A_544 : vector<16xi32>
        %shift_right_arithmetic3A_546 = arith.constant 12 : i32
        %shift_right_arithmetic3A_547 = vector.broadcast %shift_right_arithmetic3A_546 : i32 to vector<16xi32>
        %shift_right_arithmetic3A_548 = arith.shrsi %masked_sort3A_417, %shift_right_arithmetic3A_547 : vector<16xi32>
        %shift_right_arithmetic3A_549 = arith.constant 12 : i32
        %shift_right_arithmetic3A_550 = vector.broadcast %shift_right_arithmetic3A_549 : i32 to vector<16xi32>
        %shift_right_arithmetic3A_551 = arith.shrsi %gather3A_501, %shift_right_arithmetic3A_550 : vector<16xi32>
        %ne3A_552 = arith.cmpi ne, %shift_right_arithmetic3A_548, %shift_right_arithmetic3A_551 : vector<16xi32>
        %or3A_553 = arith.ori %eq3A_545, %ne3A_552 : vector<16xi1>
        %shift_right_arithmetic3A_554 = arith.constant 12 : i32
        %shift_right_arithmetic3A_555 = vector.broadcast %shift_right_arithmetic3A_554 : i32 to vector<16xi32>
        %shift_right_arithmetic3A_556 = arith.shrsi %masked_sort3A_417, %shift_right_arithmetic3A_555 : vector<16xi32>
        tpu.vector_store_idx %arg9[%shift_right_arithmetic3A_556], %masked_sort3A_416 masked %or3A_553 : memref<100000xi32, #tpu.memory_space<vmem>>[vector<16xi32>], vector<16xi32>, vector<16xi1>
        %eq3A_557 = arith.constant 15 : i32
        %eq3A_558 = vector.broadcast %eq3A_557 : i32 to vector<16xi32>
        %eq3A_559 = arith.cmpi eq, %iota3A, %eq3A_558 : vector<16xi32>
        %shift_right_arithmetic3A_560 = arith.constant 12 : i32
        %shift_right_arithmetic3A_561 = vector.broadcast %shift_right_arithmetic3A_560 : i32 to vector<16xi32>
        %shift_right_arithmetic3A_562 = arith.shrsi %masked_sort3A_429, %shift_right_arithmetic3A_561 : vector<16xi32>
        %shift_right_arithmetic3A_563 = arith.constant 12 : i32
        %shift_right_arithmetic3A_564 = vector.broadcast %shift_right_arithmetic3A_563 : i32 to vector<16xi32>
        %shift_right_arithmetic3A_565 = arith.shrsi %gather3A_504, %shift_right_arithmetic3A_564 : vector<16xi32>
        %ne3A_566 = arith.cmpi ne, %shift_right_arithmetic3A_562, %shift_right_arithmetic3A_565 : vector<16xi32>
        %or3A_567 = arith.ori %eq3A_559, %ne3A_566 : vector<16xi1>
        %shift_right_arithmetic3A_568 = arith.constant 12 : i32
        %shift_right_arithmetic3A_569 = vector.broadcast %shift_right_arithmetic3A_568 : i32 to vector<16xi32>
        %shift_right_arithmetic3A_570 = arith.shrsi %masked_sort3A_429, %shift_right_arithmetic3A_569 : vector<16xi32>
        tpu.vector_store_idx %arg9[%shift_right_arithmetic3A_570], %masked_sort3A_428 masked %or3A_567 : memref<100000xi32, #tpu.memory_space<vmem>>[vector<16xi32>], vector<16xi32>, vector<16xi1>
        %eq3A_571 = arith.constant 15 : i32
        %eq3A_572 = vector.broadcast %eq3A_571 : i32 to vector<16xi32>
        %eq3A_573 = arith.cmpi eq, %iota3A, %eq3A_572 : vector<16xi32>
        %shift_right_arithmetic3A_574 = arith.constant 12 : i32
        %shift_right_arithmetic3A_575 = vector.broadcast %shift_right_arithmetic3A_574 : i32 to vector<16xi32>
        %shift_right_arithmetic3A_576 = arith.shrsi %masked_sort3A_441, %shift_right_arithmetic3A_575 : vector<16xi32>
        %shift_right_arithmetic3A_577 = arith.constant 12 : i32
        %shift_right_arithmetic3A_578 = vector.broadcast %shift_right_arithmetic3A_577 : i32 to vector<16xi32>
        %shift_right_arithmetic3A_579 = arith.shrsi %gather3A_507, %shift_right_arithmetic3A_578 : vector<16xi32>
        %ne3A_580 = arith.cmpi ne, %shift_right_arithmetic3A_576, %shift_right_arithmetic3A_579 : vector<16xi32>
        %or3A_581 = arith.ori %eq3A_573, %ne3A_580 : vector<16xi1>
        %shift_right_arithmetic3A_582 = arith.constant 12 : i32
        %shift_right_arithmetic3A_583 = vector.broadcast %shift_right_arithmetic3A_582 : i32 to vector<16xi32>
        %shift_right_arithmetic3A_584 = arith.shrsi %masked_sort3A_441, %shift_right_arithmetic3A_583 : vector<16xi32>
        tpu.vector_store_idx %arg9[%shift_right_arithmetic3A_584], %masked_sort3A_440 masked %or3A_581 : memref<100000xi32, #tpu.memory_space<vmem>>[vector<16xi32>], vector<16xi32>, vector<16xi1>
        %eq3A_585 = arith.constant 15 : i32
        %eq3A_586 = vector.broadcast %eq3A_585 : i32 to vector<16xi32>
        %eq3A_587 = arith.cmpi eq, %iota3A, %eq3A_586 : vector<16xi32>
        %shift_right_arithmetic3A_588 = arith.constant 12 : i32
        %shift_right_arithmetic3A_589 = vector.broadcast %shift_right_arithmetic3A_588 : i32 to vector<16xi32>
        %shift_right_arithmetic3A_590 = arith.shrsi %masked_sort3A_453, %shift_right_arithmetic3A_589 : vector<16xi32>
        %shift_right_arithmetic3A_591 = arith.constant 12 : i32
        %shift_right_arithmetic3A_592 = vector.broadcast %shift_right_arithmetic3A_591 : i32 to vector<16xi32>
        %shift_right_arithmetic3A_593 = arith.shrsi %gather3A_510, %shift_right_arithmetic3A_592 : vector<16xi32>
        %ne3A_594 = arith.cmpi ne, %shift_right_arithmetic3A_590, %shift_right_arithmetic3A_593 : vector<16xi32>
        %or3A_595 = arith.ori %eq3A_587, %ne3A_594 : vector<16xi1>
        %shift_right_arithmetic3A_596 = arith.constant 12 : i32
        %shift_right_arithmetic3A_597 = vector.broadcast %shift_right_arithmetic3A_596 : i32 to vector<16xi32>
        %shift_right_arithmetic3A_598 = arith.shrsi %masked_sort3A_453, %shift_right_arithmetic3A_597 : vector<16xi32>
        tpu.vector_store_idx %arg9[%shift_right_arithmetic3A_598], %masked_sort3A_452 masked %or3A_595 : memref<100000xi32, #tpu.memory_space<vmem>>[vector<16xi32>], vector<16xi32>, vector<16xi1>
        %eq3A_599 = arith.constant 15 : i32
        %eq3A_600 = vector.broadcast %eq3A_599 : i32 to vector<16xi32>
        %eq3A_601 = arith.cmpi eq, %iota3A, %eq3A_600 : vector<16xi32>
        %shift_right_arithmetic3A_602 = arith.constant 12 : i32
        %shift_right_arithmetic3A_603 = vector.broadcast %shift_right_arithmetic3A_602 : i32 to vector<16xi32>
        %shift_right_arithmetic3A_604 = arith.shrsi %masked_sort3A_465, %shift_right_arithmetic3A_603 : vector<16xi32>
        %shift_right_arithmetic3A_605 = arith.constant 12 : i32
        %shift_right_arithmetic3A_606 = vector.broadcast %shift_right_arithmetic3A_605 : i32 to vector<16xi32>
        %shift_right_arithmetic3A_607 = arith.shrsi %gather3A_513, %shift_right_arithmetic3A_606 : vector<16xi32>
        %ne3A_608 = arith.cmpi ne, %shift_right_arithmetic3A_604, %shift_right_arithmetic3A_607 : vector<16xi32>
        %or3A_609 = arith.ori %eq3A_601, %ne3A_608 : vector<16xi1>
        %shift_right_arithmetic3A_610 = arith.constant 12 : i32
        %shift_right_arithmetic3A_611 = vector.broadcast %shift_right_arithmetic3A_610 : i32 to vector<16xi32>
        %shift_right_arithmetic3A_612 = arith.shrsi %masked_sort3A_465, %shift_right_arithmetic3A_611 : vector<16xi32>
        tpu.vector_store_idx %arg9[%shift_right_arithmetic3A_612], %masked_sort3A_464 masked %or3A_609 : memref<100000xi32, #tpu.memory_space<vmem>>[vector<16xi32>], vector<16xi32>, vector<16xi1>
        %eq3A_613 = arith.constant 15 : i32
        %eq3A_614 = vector.broadcast %eq3A_613 : i32 to vector<16xi32>
        %eq3A_615 = arith.cmpi eq, %iota3A, %eq3A_614 : vector<16xi32>
        %shift_right_arithmetic3A_616 = arith.constant 12 : i32
        %shift_right_arithmetic3A_617 = vector.broadcast %shift_right_arithmetic3A_616 : i32 to vector<16xi32>
        %shift_right_arithmetic3A_618 = arith.shrsi %masked_sort3A_477, %shift_right_arithmetic3A_617 : vector<16xi32>
        %shift_right_arithmetic3A_619 = arith.constant 12 : i32
        %shift_right_arithmetic3A_620 = vector.broadcast %shift_right_arithmetic3A_619 : i32 to vector<16xi32>
        %shift_right_arithmetic3A_621 = arith.shrsi %gather3A_516, %shift_right_arithmetic3A_620 : vector<16xi32>
        %ne3A_622 = arith.cmpi ne, %shift_right_arithmetic3A_618, %shift_right_arithmetic3A_621 : vector<16xi32>
        %or3A_623 = arith.ori %eq3A_615, %ne3A_622 : vector<16xi1>
        %shift_right_arithmetic3A_624 = arith.constant 12 : i32
        %shift_right_arithmetic3A_625 = vector.broadcast %shift_right_arithmetic3A_624 : i32 to vector<16xi32>
        %shift_right_arithmetic3A_626 = arith.shrsi %masked_sort3A_477, %shift_right_arithmetic3A_625 : vector<16xi32>
        tpu.vector_store_idx %arg9[%shift_right_arithmetic3A_626], %masked_sort3A_476 masked %or3A_623 : memref<100000xi32, #tpu.memory_space<vmem>>[vector<16xi32>], vector<16xi32>, vector<16xi1>
      }
      %scan3A_272 = arith.constant 32 : i32
      "tpu.trace_start"() <{level = 10 : i32, message = "g_late"}> : () -> ()
      %dma_wait3A_273 = arith.constant 0 : i32
      %dma_wait3A_274 = arith.constant 0 : i32
      %dma_wait3A_275 = tpu.memref_slice %arg2[%dma_wait3A_273, %dma_wait3A_274] : memref<100000x128xf32, #tpu.memory_space<hbm>> -> memref<100000x128xf32, #tpu.memory_space<hbm>>
      tpu.wait_indirect_dma semaphore(%arg19 : memref<!tpu.dma_semaphore, #tpu.memory_space<semaphore_mem>>) src(%dma_wait3A_275 : memref<100000x128xf32, #tpu.memory_space<hbm>>) dst(%arg12 : memref<128x128xf32, #tpu.memory_space<vmem>>)
      %dma_start3A_276 = arith.constant 0 : i32
      %dma_start3A_277 = tpu.memref_slice %arg6[%mul3A_2, %dma_start3A_276] : memref<4096x128xf32, #tpu.memory_space<hbm>> -> memref<128x128xf32, #tpu.memory_space<hbm>>
      %dma_start3A_278 = arith.constant 0 : i32
      %dma_start3A_279 = tpu.memref_slice %arg6[%mul3A_2, %dma_start3A_278] : memref<4096x128xf32, #tpu.memory_space<hbm>> -> memref<128x128xf32, #tpu.memory_space<hbm>>
      tpu.enqueue_dma source(%arg12 : memref<128x128xf32, #tpu.memory_space<vmem>>) target(%dma_start3A_279 : memref<128x128xf32, #tpu.memory_space<hbm>>) target_semaphore(%arg22 : memref<!tpu.dma_semaphore, #tpu.memory_space<semaphore_mem>>)
      "tpu.trace_stop"() : () -> ()
      %scan3A_280 = arith.constant 0 : i32
      %scan3A_281 = arith.constant 0 : i32
      %scan3A_282 = arith.constant 32 : i32
      %scan3A_283 = arith.addi %scan3A_281, %scan3A_282 : i32
      %scan3A_284 = arith.constant 1 : i32
      scf.for %scan3A_286 = %scan3A_281 to %scan3A_283 step %scan3A_284  : i32 {
        %mul3A_287 = arith.constant 8 : i32
        %mul3A_288 = arith.muli %scan3A_286, %mul3A_287 : i32
        %add3A_289 = arith.constant 0 : i32
        %add3A_290 = arith.addi %mul3A_288, %add3A_289 : i32
        %mul3A_291 = arith.constant 8 : i32
        %mul3A_292 = arith.muli %scan3A_286, %mul3A_291 : i32
        %add3A_293 = arith.constant 1 : i32
        %add3A_294 = arith.addi %mul3A_292, %add3A_293 : i32
        %mul3A_295 = arith.constant 8 : i32
        %mul3A_296 = arith.muli %scan3A_286, %mul3A_295 : i32
        %add3A_297 = arith.constant 2 : i32
        %add3A_298 = arith.addi %mul3A_296, %add3A_297 : i32
        %mul3A_299 = arith.constant 8 : i32
        %mul3A_300 = arith.muli %scan3A_286, %mul3A_299 : i32
        %add3A_301 = arith.constant 3 : i32
        %add3A_302 = arith.addi %mul3A_300, %add3A_301 : i32
        %mul3A_303 = arith.constant 8 : i32
        %mul3A_304 = arith.muli %scan3A_286, %mul3A_303 : i32
        %add3A_305 = arith.constant 4 : i32
        %add3A_306 = arith.addi %mul3A_304, %add3A_305 : i32
        %mul3A_307 = arith.constant 8 : i32
        %mul3A_308 = arith.muli %scan3A_286, %mul3A_307 : i32
        %add3A_309 = arith.constant 5 : i32
        %add3A_310 = arith.addi %mul3A_308, %add3A_309 : i32
        %mul3A_311 = arith.constant 8 : i32
        %mul3A_312 = arith.muli %scan3A_286, %mul3A_311 : i32
        %add3A_313 = arith.constant 6 : i32
        %add3A_314 = arith.addi %mul3A_312, %add3A_313 : i32
        %mul3A_315 = arith.constant 8 : i32
        %mul3A_316 = arith.muli %scan3A_286, %mul3A_315 : i32
        %add3A_317 = arith.constant 7 : i32
        %add3A_318 = arith.addi %mul3A_316, %add3A_317 : i32
        %mul3A_319 = arith.constant 16 : i32
        %mul3A_320 = arith.muli %add3A_290, %mul3A_319 : i32
        %get3A_321 = arith.index_cast %mul3A_320 : i32 to index
        %get3A_322 = tpu.vector_load %arg11[%get3A_321] {strides = array<i32>} : memref<4096xi32, #tpu.memory_space<vmem>>, vector<16xi32>,
        %mul3A_323 = arith.constant 16 : i32
        %mul3A_324 = arith.muli %add3A_294, %mul3A_323 : i32
        %get3A_325 = arith.index_cast %mul3A_324 : i32 to index
        %get3A_326 = tpu.vector_load %arg11[%get3A_325] {strides = array<i32>} : memref<4096xi32, #tpu.memory_space<vmem>>, vector<16xi32>,
        %mul3A_327 = arith.constant 16 : i32
        %mul3A_328 = arith.muli %add3A_298, %mul3A_327 : i32
        %get3A_329 = arith.index_cast %mul3A_328 : i32 to index
        %get3A_330 = tpu.vector_load %arg11[%get3A_329] {strides = array<i32>} : memref<4096xi32, #tpu.memory_space<vmem>>, vector<16xi32>,
        %mul3A_331 = arith.constant 16 : i32
        %mul3A_332 = arith.muli %add3A_302, %mul3A_331 : i32
        %get3A_333 = arith.index_cast %mul3A_332 : i32 to index
        %get3A_334 = tpu.vector_load %arg11[%get3A_333] {strides = array<i32>} : memref<4096xi32, #tpu.memory_space<vmem>>, vector<16xi32>,
        %mul3A_335 = arith.constant 16 : i32
        %mul3A_336 = arith.muli %add3A_306, %mul3A_335 : i32
        %get3A_337 = arith.index_cast %mul3A_336 : i32 to index
        %get3A_338 = tpu.vector_load %arg11[%get3A_337] {strides = array<i32>} : memref<4096xi32, #tpu.memory_space<vmem>>, vector<16xi32>,
        %mul3A_339 = arith.constant 16 : i32
        %mul3A_340 = arith.muli %add3A_310, %mul3A_339 : i32
        %get3A_341 = arith.index_cast %mul3A_340 : i32 to index
        %get3A_342 = tpu.vector_load %arg11[%get3A_341] {strides = array<i32>} : memref<4096xi32, #tpu.memory_space<vmem>>, vector<16xi32>,
        %mul3A_343 = arith.constant 16 : i32
        %mul3A_344 = arith.muli %add3A_314, %mul3A_343 : i32
        %get3A_345 = arith.index_cast %mul3A_344 : i32 to index
        %get3A_346 = tpu.vector_load %arg11[%get3A_345] {strides = array<i32>} : memref<4096xi32, #tpu.memory_space<vmem>>, vector<16xi32>,
        %mul3A_347 = arith.constant 16 : i32
        %mul3A_348 = arith.muli %add3A_318, %mul3A_347 : i32
        %get3A_349 = arith.index_cast %mul3A_348 : i32 to index
        %get3A_350 = tpu.vector_load %arg11[%get3A_349] {strides = array<i32>} : memref<4096xi32, #tpu.memory_space<vmem>>, vector<16xi32>,
        %gather3A = tpu.vector_load_idx %arg9[%get3A_322] : memref<100000xi32, #tpu.memory_space<vmem>>[vector<16xi32>], vector<16xi32>,
        %gather3A_351 = tpu.vector_load_idx %arg9[%get3A_326] : memref<100000xi32, #tpu.memory_space<vmem>>[vector<16xi32>], vector<16xi32>,
        %gather3A_352 = tpu.vector_load_idx %arg9[%get3A_330] : memref<100000xi32, #tpu.memory_space<vmem>>[vector<16xi32>], vector<16xi32>,
        %gather3A_353 = tpu.vector_load_idx %arg9[%get3A_334] : memref<100000xi32, #tpu.memory_space<vmem>>[vector<16xi32>], vector<16xi32>,
        %gather3A_354 = tpu.vector_load_idx %arg9[%get3A_338] : memref<100000xi32, #tpu.memory_space<vmem>>[vector<16xi32>], vector<16xi32>,
        %gather3A_355 = tpu.vector_load_idx %arg9[%get3A_342] : memref<100000xi32, #tpu.memory_space<vmem>>[vector<16xi32>], vector<16xi32>,
        %gather3A_356 = tpu.vector_load_idx %arg9[%get3A_346] : memref<100000xi32, #tpu.memory_space<vmem>>[vector<16xi32>], vector<16xi32>,
        %gather3A_357 = tpu.vector_load_idx %arg9[%get3A_350] : memref<100000xi32, #tpu.memory_space<vmem>>[vector<16xi32>], vector<16xi32>,
        %max3A = arith.constant 0 : i32
        %max3A_358 = vector.broadcast %max3A : i32 to vector<16xi32>
        %max3A_359 = arith.maxsi %gather3A, %max3A_358 : vector<16xi32>
        %min3A_360 = arith.constant 4095 : i32
        %min3A_361 = vector.broadcast %min3A_360 : i32 to vector<16xi32>
        %min3A_362 = arith.minsi %max3A_359, %min3A_361 : vector<16xi32>
        %max3A_363 = arith.constant 0 : i32
        %max3A_364 = vector.broadcast %max3A_363 : i32 to vector<16xi32>
        %max3A_365 = arith.maxsi %gather3A_351, %max3A_364 : vector<16xi32>
        %min3A_366 = arith.constant 4095 : i32
        %min3A_367 = vector.broadcast %min3A_366 : i32 to vector<16xi32>
        %min3A_368 = arith.minsi %max3A_365, %min3A_367 : vector<16xi32>
        %max3A_369 = arith.constant 0 : i32
        %max3A_370 = vector.broadcast %max3A_369 : i32 to vector<16xi32>
        %max3A_371 = arith.maxsi %gather3A_352, %max3A_370 : vector<16xi32>
        %min3A_372 = arith.constant 4095 : i32
        %min3A_373 = vector.broadcast %min3A_372 : i32 to vector<16xi32>
        %min3A_374 = arith.minsi %max3A_371, %min3A_373 : vector<16xi32>
        %max3A_375 = arith.constant 0 : i32
        %max3A_376 = vector.broadcast %max3A_375 : i32 to vector<16xi32>
        %max3A_377 = arith.maxsi %gather3A_353, %max3A_376 : vector<16xi32>
        %min3A_378 = arith.constant 4095 : i32
        %min3A_379 = vector.broadcast %min3A_378 : i32 to vector<16xi32>
        %min3A_380 = arith.minsi %max3A_377, %min3A_379 : vector<16xi32>
        %max3A_381 = arith.constant 0 : i32
        %max3A_382 = vector.broadcast %max3A_381 : i32 to vector<16xi32>
        %max3A_383 = arith.maxsi %gather3A_354, %max3A_382 : vector<16xi32>
        %min3A_384 = arith.constant 4095 : i32
        %min3A_385 = vector.broadcast %min3A_384 : i32 to vector<16xi32>
        %min3A_386 = arith.minsi %max3A_383, %min3A_385 : vector<16xi32>
        %max3A_387 = arith.constant 0 : i32
        %max3A_388 = vector.broadcast %max3A_387 : i32 to vector<16xi32>
        %max3A_389 = arith.maxsi %gather3A_355, %max3A_388 : vector<16xi32>
        %min3A_390 = arith.constant 4095 : i32
        %min3A_391 = vector.broadcast %min3A_390 : i32 to vector<16xi32>
        %min3A_392 = arith.minsi %max3A_389, %min3A_391 : vector<16xi32>
        %max3A_393 = arith.constant 0 : i32
        %max3A_394 = vector.broadcast %max3A_393 : i32 to vector<16xi32>
        %max3A_395 = arith.maxsi %gather3A_356, %max3A_394 : vector<16xi32>
        %min3A_396 = arith.constant 4095 : i32
        %min3A_397 = vector.broadcast %min3A_396 : i32 to vector<16xi32>
        %min3A_398 = arith.minsi %max3A_395, %min3A_397 : vector<16xi32>
        %max3A_399 = arith.constant 0 : i32
        %max3A_400 = vector.broadcast %max3A_399 : i32 to vector<16xi32>
        %max3A_401 = arith.maxsi %gather3A_357, %max3A_400 : vector<16xi32>
        %min3A_402 = arith.constant 4095 : i32
        %min3A_403 = vector.broadcast %min3A_402 : i32 to vector<16xi32>
        %min3A_404 = arith.minsi %max3A_401, %min3A_403 : vector<16xi32>
        %gather3A_405 = tpu.vector_load_idx %arg10[%min3A_362] : memref<4096xi32, #tpu.memory_space<vmem>>[vector<16xi32>], vector<16xi32>,
        %gather3A_406 = tpu.vector_load_idx %arg10[%min3A_368] : memref<4096xi32, #tpu.memory_space<vmem>>[vector<16xi32>], vector<16xi32>,
        %gather3A_407 = tpu.vector_load_idx %arg10[%min3A_374] : memref<4096xi32, #tpu.memory_space<vmem>>[vector<16xi32>], vector<16xi32>,
        %gather3A_408 = tpu.vector_load_idx %arg10[%min3A_380] : memref<4096xi32, #tpu.memory_space<vmem>>[vector<16xi32>], vector<16xi32>,
        %gather3A_409 = tpu.vector_load_idx %arg10[%min3A_386] : memref<4096xi32, #tpu.memory_space<vmem>>[vector<16xi32>], vector<16xi32>,
        %gather3A_410 = tpu.vector_load_idx %arg10[%min3A_392] : memref<4096xi32, #tpu.memory_space<vmem>>[vector<16xi32>], vector<16xi32>,
        %gather3A_411 = tpu.vector_load_idx %arg10[%min3A_398] : memref<4096xi32, #tpu.memory_space<vmem>>[vector<16xi32>], vector<16xi32>,
        %gather3A_412 = tpu.vector_load_idx %arg10[%min3A_404] : memref<4096xi32, #tpu.memory_space<vmem>>[vector<16xi32>], vector<16xi32>,
        %ge3A_413 = arith.constant 0 : i32
        %ge3A_414 = vector.broadcast %ge3A_413 : i32 to vector<16xi32>
        %ge3A_415 = arith.cmpi sge, %gather3A, %ge3A_414 : vector<16xi32>
        %lt3A = arith.constant 4096 : i32
        %lt3A_416 = vector.broadcast %lt3A : i32 to vector<16xi32>
        %lt3A_417 = arith.cmpi slt, %gather3A, %lt3A_416 : vector<16xi32>
        %and3A = arith.andi %ge3A_415, %lt3A_417 : vector<16xi1>
        %eq3A_418 = arith.cmpi eq, %gather3A_405, %get3A_322 : vector<16xi32>
        %and3A_419 = arith.andi %and3A, %eq3A_418 : vector<16xi1>
        %jit3A_420 = arith.constant -1 : i32
        %broadcast_in_dim3A_421 = vector.broadcast %jit3A_420 : i32 to vector<16xi32>
        %select_n3A_422 = arith.select %and3A_419, %gather3A, %broadcast_in_dim3A_421 : vector<16xi1>, vector<16xi32>
        %mul3A_423 = arith.constant 16 : i32
        %mul3A_424 = arith.muli %add3A_290, %mul3A_423 : i32
        %swap3A_425 = arith.index_cast %mul3A_424 : i32 to index
        %swap3A_426 = tpu.vector_load %arg11[%swap3A_425] {strides = array<i32>} : memref<4096xi32, #tpu.memory_space<vmem>>, vector<16xi32>,
        tpu.vector_store %arg11[%swap3A_425], %select_n3A_422 {strides = array<i32>} : memref<4096xi32, #tpu.memory_space<vmem>>, vector<16xi32>,
        %ge3A_427 = arith.constant 0 : i32
        %ge3A_428 = vector.broadcast %ge3A_427 : i32 to vector<16xi32>
        %ge3A_429 = arith.cmpi sge, %gather3A_351, %ge3A_428 : vector<16xi32>
        %lt3A_430 = arith.constant 4096 : i32
        %lt3A_431 = vector.broadcast %lt3A_430 : i32 to vector<16xi32>
        %lt3A_432 = arith.cmpi slt, %gather3A_351, %lt3A_431 : vector<16xi32>
        %and3A_433 = arith.andi %ge3A_429, %lt3A_432 : vector<16xi1>
        %eq3A_434 = arith.cmpi eq, %gather3A_406, %get3A_326 : vector<16xi32>
        %and3A_435 = arith.andi %and3A_433, %eq3A_434 : vector<16xi1>
        %jit3A_436 = arith.constant -1 : i32
        %broadcast_in_dim3A_437 = vector.broadcast %jit3A_436 : i32 to vector<16xi32>
        %select_n3A_438 = arith.select %and3A_435, %gather3A_351, %broadcast_in_dim3A_437 : vector<16xi1>, vector<16xi32>
        %mul3A_439 = arith.constant 16 : i32
        %mul3A_440 = arith.muli %add3A_294, %mul3A_439 : i32
        %swap3A_441 = arith.index_cast %mul3A_440 : i32 to index
        %swap3A_442 = tpu.vector_load %arg11[%swap3A_441] {strides = array<i32>} : memref<4096xi32, #tpu.memory_space<vmem>>, vector<16xi32>,
        tpu.vector_store %arg11[%swap3A_441], %select_n3A_438 {strides = array<i32>} : memref<4096xi32, #tpu.memory_space<vmem>>, vector<16xi32>,
        %ge3A_443 = arith.constant 0 : i32
        %ge3A_444 = vector.broadcast %ge3A_443 : i32 to vector<16xi32>
        %ge3A_445 = arith.cmpi sge, %gather3A_352, %ge3A_444 : vector<16xi32>
        %lt3A_446 = arith.constant 4096 : i32
        %lt3A_447 = vector.broadcast %lt3A_446 : i32 to vector<16xi32>
        %lt3A_448 = arith.cmpi slt, %gather3A_352, %lt3A_447 : vector<16xi32>
        %and3A_449 = arith.andi %ge3A_445, %lt3A_448 : vector<16xi1>
        %eq3A_450 = arith.cmpi eq, %gather3A_407, %get3A_330 : vector<16xi32>
        %and3A_451 = arith.andi %and3A_449, %eq3A_450 : vector<16xi1>
        %jit3A_452 = arith.constant -1 : i32
        %broadcast_in_dim3A_453 = vector.broadcast %jit3A_452 : i32 to vector<16xi32>
        %select_n3A_454 = arith.select %and3A_451, %gather3A_352, %broadcast_in_dim3A_453 : vector<16xi1>, vector<16xi32>
        %mul3A_455 = arith.constant 16 : i32
        %mul3A_456 = arith.muli %add3A_298, %mul3A_455 : i32
        %swap3A_457 = arith.index_cast %mul3A_456 : i32 to index
        %swap3A_458 = tpu.vector_load %arg11[%swap3A_457] {strides = array<i32>} : memref<4096xi32, #tpu.memory_space<vmem>>, vector<16xi32>,
        tpu.vector_store %arg11[%swap3A_457], %select_n3A_454 {strides = array<i32>} : memref<4096xi32, #tpu.memory_space<vmem>>, vector<16xi32>,
        %ge3A_459 = arith.constant 0 : i32
        %ge3A_460 = vector.broadcast %ge3A_459 : i32 to vector<16xi32>
        %ge3A_461 = arith.cmpi sge, %gather3A_353, %ge3A_460 : vector<16xi32>
        %lt3A_462 = arith.constant 4096 : i32
        %lt3A_463 = vector.broadcast %lt3A_462 : i32 to vector<16xi32>
        %lt3A_464 = arith.cmpi slt, %gather3A_353, %lt3A_463 : vector<16xi32>
        %and3A_465 = arith.andi %ge3A_461, %lt3A_464 : vector<16xi1>
        %eq3A_466 = arith.cmpi eq, %gather3A_408, %get3A_334 : vector<16xi32>
        %and3A_467 = arith.andi %and3A_465, %eq3A_466 : vector<16xi1>
        %jit3A_468 = arith.constant -1 : i32
        %broadcast_in_dim3A_469 = vector.broadcast %jit3A_468 : i32 to vector<16xi32>
        %select_n3A_470 = arith.select %and3A_467, %gather3A_353, %broadcast_in_dim3A_469 : vector<16xi1>, vector<16xi32>
        %mul3A_471 = arith.constant 16 : i32
        %mul3A_472 = arith.muli %add3A_302, %mul3A_471 : i32
        %swap3A_473 = arith.index_cast %mul3A_472 : i32 to index
        %swap3A_474 = tpu.vector_load %arg11[%swap3A_473] {strides = array<i32>} : memref<4096xi32, #tpu.memory_space<vmem>>, vector<16xi32>,
        tpu.vector_store %arg11[%swap3A_473], %select_n3A_470 {strides = array<i32>} : memref<4096xi32, #tpu.memory_space<vmem>>, vector<16xi32>,
        %ge3A_475 = arith.constant 0 : i32
        %ge3A_476 = vector.broadcast %ge3A_475 : i32 to vector<16xi32>
        %ge3A_477 = arith.cmpi sge, %gather3A_354, %ge3A_476 : vector<16xi32>
        %lt3A_478 = arith.constant 4096 : i32
        %lt3A_479 = vector.broadcast %lt3A_478 : i32 to vector<16xi32>
        %lt3A_480 = arith.cmpi slt, %gather3A_354, %lt3A_479 : vector<16xi32>
        %and3A_481 = arith.andi %ge3A_477, %lt3A_480 : vector<16xi1>
        %eq3A_482 = arith.cmpi eq, %gather3A_409, %get3A_338 : vector<16xi32>
        %and3A_483 = arith.andi %and3A_481, %eq3A_482 : vector<16xi1>
        %jit3A_484 = arith.constant -1 : i32
        %broadcast_in_dim3A_485 = vector.broadcast %jit3A_484 : i32 to vector<16xi32>
        %select_n3A_486 = arith.select %and3A_483, %gather3A_354, %broadcast_in_dim3A_485 : vector<16xi1>, vector<16xi32>
        %mul3A_487 = arith.constant 16 : i32
        %mul3A_488 = arith.muli %add3A_306, %mul3A_487 : i32
        %swap3A_489 = arith.index_cast %mul3A_488 : i32 to index
        %swap3A_490 = tpu.vector_load %arg11[%swap3A_489] {strides = array<i32>} : memref<4096xi32, #tpu.memory_space<vmem>>, vector<16xi32>,
        tpu.vector_store %arg11[%swap3A_489], %select_n3A_486 {strides = array<i32>} : memref<4096xi32, #tpu.memory_space<vmem>>, vector<16xi32>,
        %ge3A_491 = arith.constant 0 : i32
        %ge3A_492 = vector.broadcast %ge3A_491 : i32 to vector<16xi32>
        %ge3A_493 = arith.cmpi sge, %gather3A_355, %ge3A_492 : vector<16xi32>
        %lt3A_494 = arith.constant 4096 : i32
        %lt3A_495 = vector.broadcast %lt3A_494 : i32 to vector<16xi32>
        %lt3A_496 = arith.cmpi slt, %gather3A_355, %lt3A_495 : vector<16xi32>
        %and3A_497 = arith.andi %ge3A_493, %lt3A_496 : vector<16xi1>
        %eq3A_498 = arith.cmpi eq, %gather3A_410, %get3A_342 : vector<16xi32>
        %and3A_499 = arith.andi %and3A_497, %eq3A_498 : vector<16xi1>
        %jit3A_500 = arith.constant -1 : i32
        %broadcast_in_dim3A_501 = vector.broadcast %jit3A_500 : i32 to vector<16xi32>
        %select_n3A_502 = arith.select %and3A_499, %gather3A_355, %broadcast_in_dim3A_501 : vector<16xi1>, vector<16xi32>
        %mul3A_503 = arith.constant 16 : i32
        %mul3A_504 = arith.muli %add3A_310, %mul3A_503 : i32
        %swap3A_505 = arith.index_cast %mul3A_504 : i32 to index
        %swap3A_506 = tpu.vector_load %arg11[%swap3A_505] {strides = array<i32>} : memref<4096xi32, #tpu.memory_space<vmem>>, vector<16xi32>,
        tpu.vector_store %arg11[%swap3A_505], %select_n3A_502 {strides = array<i32>} : memref<4096xi32, #tpu.memory_space<vmem>>, vector<16xi32>,
        %ge3A_507 = arith.constant 0 : i32
        %ge3A_508 = vector.broadcast %ge3A_507 : i32 to vector<16xi32>
        %ge3A_509 = arith.cmpi sge, %gather3A_356, %ge3A_508 : vector<16xi32>
        %lt3A_510 = arith.constant 4096 : i32
        %lt3A_511 = vector.broadcast %lt3A_510 : i32 to vector<16xi32>
        %lt3A_512 = arith.cmpi slt, %gather3A_356, %lt3A_511 : vector<16xi32>
        %and3A_513 = arith.andi %ge3A_509, %lt3A_512 : vector<16xi1>
        %eq3A_514 = arith.cmpi eq, %gather3A_411, %get3A_346 : vector<16xi32>
        %and3A_515 = arith.andi %and3A_513, %eq3A_514 : vector<16xi1>
        %jit3A_516 = arith.constant -1 : i32
        %broadcast_in_dim3A_517 = vector.broadcast %jit3A_516 : i32 to vector<16xi32>
        %select_n3A_518 = arith.select %and3A_515, %gather3A_356, %broadcast_in_dim3A_517 : vector<16xi1>, vector<16xi32>
        %mul3A_519 = arith.constant 16 : i32
        %mul3A_520 = arith.muli %add3A_314, %mul3A_519 : i32
        %swap3A_521 = arith.index_cast %mul3A_520 : i32 to index
        %swap3A_522 = tpu.vector_load %arg11[%swap3A_521] {strides = array<i32>} : memref<4096xi32, #tpu.memory_space<vmem>>, vector<16xi32>,
        tpu.vector_store %arg11[%swap3A_521], %select_n3A_518 {strides = array<i32>} : memref<4096xi32, #tpu.memory_space<vmem>>, vector<16xi32>,
        %ge3A_523 = arith.constant 0 : i32
        %ge3A_524 = vector.broadcast %ge3A_523 : i32 to vector<16xi32>
        %ge3A_525 = arith.cmpi sge, %gather3A_357, %ge3A_524 : vector<16xi32>
        %lt3A_526 = arith.constant 4096 : i32
        %lt3A_527 = vector.broadcast %lt3A_526 : i32 to vector<16xi32>
        %lt3A_528 = arith.cmpi slt, %gather3A_357, %lt3A_527 : vector<16xi32>
        %and3A_529 = arith.andi %ge3A_525, %lt3A_528 : vector<16xi1>
        %eq3A_530 = arith.cmpi eq, %gather3A_412, %get3A_350 : vector<16xi32>
        %and3A_531 = arith.andi %and3A_529, %eq3A_530 : vector<16xi1>
        %jit3A_532 = arith.constant -1 : i32
        %broadcast_in_dim3A_533 = vector.broadcast %jit3A_532 : i32 to vector<16xi32>
        %select_n3A_534 = arith.select %and3A_531, %gather3A_357, %broadcast_in_dim3A_533 : vector<16xi1>, vector<16xi32>
        %mul3A_535 = arith.constant 16 : i32
        %mul3A_536 = arith.muli %add3A_318, %mul3A_535 : i32
        %swap3A_537 = arith.index_cast %mul3A_536 : i32 to index
        %swap3A_538 = tpu.vector_load %arg11[%swap3A_537] {strides = array<i32>} : memref<4096xi32, #tpu.memory_space<vmem>>, vector<16xi32>,
        tpu.vector_store %arg11[%swap3A_537], %select_n3A_534 {strides = array<i32>} : memref<4096xi32, #tpu.memory_space<vmem>>, vector<16xi32>,
      }
      %scan3A_285 = arith.constant 32 : i32
      "tpu.region"() ({
        %run_scoped3A = tpu.sem_alloc : memref<!tpu.dma_semaphore, #tpu.memory_space<semaphore_mem>>
        tpu.enqueue_dma source(%arg11 : memref<4096xi32, #tpu.memory_space<vmem>>) target(%arg18 : memref<4096xi32, #tpu.memory_space<vmem_shared>>) target_semaphore(%run_scoped3A : memref<!tpu.dma_semaphore, #tpu.memory_space<semaphore_mem>>)
        tpu.wait_dma2 semaphore(%run_scoped3A : memref<!tpu.dma_semaphore, #tpu.memory_space<semaphore_mem>>) src(%arg11 : memref<4096xi32, #tpu.memory_space<vmem>>) dst(%arg18 : memref<4096xi32, #tpu.memory_space<vmem_shared>>)
        tpu.yield
      }) : () -> ()
      "tpu.trace_stop"() : () -> ()
    } else {
    }
    "tpu.trace_start"() <{level = 10 : i32, message = "barrier"}> : () -> ()
    %barrier3A = arith.constant 0 : index
    tpu.barrier barrier_id(%barrier3A)
    "tpu.trace_stop"() : () -> ()
    "tpu.trace_start"() <{level = 10 : i32, message = "v_gather"}> : () -> ()
    "tpu.region"() ({
      %run_scoped3A = tpu.sem_alloc : memref<!tpu.dma_semaphore, #tpu.memory_space<semaphore_mem>>
      %dma_start3A_263 = tpu.memref_slice %arg18[%mul3A_2] : memref<4096xi32, #tpu.memory_space<vmem_shared>> -> memref<128xi32, #tpu.memory_space<vmem_shared>>
      %dma_start3A_264 = tpu.memref_slice %arg18[%mul3A_2] : memref<4096xi32, #tpu.memory_space<vmem_shared>> -> memref<128xi32, #tpu.memory_space<vmem_shared>>
      tpu.enqueue_dma source(%dma_start3A_264 : memref<128xi32, #tpu.memory_space<vmem_shared>>) target(%arg15 : memref<128xi32, #tpu.memory_space<vmem>>) target_semaphore(%run_scoped3A : memref<!tpu.dma_semaphore, #tpu.memory_space<semaphore_mem>>)
      %dma_wait3A_265 = tpu.memref_slice %arg18[%mul3A_2] : memref<4096xi32, #tpu.memory_space<vmem_shared>> -> memref<128xi32, #tpu.memory_space<vmem_shared>>
      %dma_wait3A_266 = tpu.memref_slice %arg18[%mul3A_2] : memref<4096xi32, #tpu.memory_space<vmem_shared>> -> memref<128xi32, #tpu.memory_space<vmem_shared>>
      tpu.wait_dma2 semaphore(%run_scoped3A : memref<!tpu.dma_semaphore, #tpu.memory_space<semaphore_mem>>) src(%dma_wait3A_266 : memref<128xi32, #tpu.memory_space<vmem_shared>>) dst(%arg15 : memref<128xi32, #tpu.memory_space<vmem>>)
      tpu.yield
    }) : () -> ()
    %get3A = arith.constant 0 : index
    %get3A_16 = tpu.vector_load %arg15[%get3A] {strides = array<i32>} : memref<128xi32, #tpu.memory_space<vmem>>, vector<16xi32>,
    %add3A_17 = arith.constant 0 : i32
    %add3A_18 = arith.addi %mul3A_2, %add3A_17 : i32
    %add3A_19 = vector.broadcast %add3A_18 : i32 to vector<16xi32>
    %add3A_20 = arith.addi %add3A_19, %iota3A : vector<16xi32>
    %ge3A = arith.constant 0 : i32
    %ge3A_21 = vector.broadcast %ge3A : i32 to vector<16xi32>
    %ge3A_22 = arith.cmpi sge, %get3A_16, %ge3A_21 : vector<16xi32>
    %select_n3A = arith.select %ge3A_22, %get3A_16, %add3A_20 : vector<16xi1>, vector<16xi32>
    %swap3A = arith.constant 0 : index
    %swap3A_23 = tpu.vector_load %arg14[%swap3A] {strides = array<i32>} : memref<128xi32, #tpu.memory_space<vmem>>, vector<16xi32>,
    tpu.vector_store %arg14[%swap3A], %select_n3A {strides = array<i32>} : memref<128xi32, #tpu.memory_space<vmem>>, vector<16xi32>,
    %ge3A_24 = arith.constant 0 : i32
    %ge3A_25 = vector.broadcast %ge3A_24 : i32 to vector<16xi32>
    %ge3A_26 = arith.cmpi sge, %get3A_16, %ge3A_25 : vector<16xi32>
    %jit3A = arith.constant 1.000000e+00 : f32
    %jit3A_27 = arith.constant 0.000000e+00 : f32
    %broadcast_in_dim3A = vector.broadcast %jit3A : f32 to vector<16xf32>
    %broadcast_in_dim3A_28 = vector.broadcast %jit3A_27 : f32 to vector<16xf32>
    %select_n3A_29 = arith.select %ge3A_26, %broadcast_in_dim3A, %broadcast_in_dim3A_28 : vector<16xi1>, vector<16xf32>
    %swap3A_30 = arith.constant 0 : index
    %swap3A_31 = tpu.vector_load %arg16[%swap3A_30] {strides = array<i32>} : memref<128xf32, #tpu.memory_space<vmem>>, vector<16xf32>,
    tpu.vector_store %arg16[%swap3A_30], %select_n3A_29 {strides = array<i32>} : memref<128xf32, #tpu.memory_space<vmem>>, vector<16xf32>,
    %get3A_32 = arith.constant 16 : index
    %get3A_33 = tpu.vector_load %arg15[%get3A_32] {strides = array<i32>} : memref<128xi32, #tpu.memory_space<vmem>>, vector<16xi32>,
    %add3A_34 = arith.constant 16 : i32
    %add3A_35 = arith.addi %mul3A_2, %add3A_34 : i32
    %add3A_36 = vector.broadcast %add3A_35 : i32 to vector<16xi32>
    %add3A_37 = arith.addi %add3A_36, %iota3A : vector<16xi32>
    %ge3A_38 = arith.constant 0 : i32
    %ge3A_39 = vector.broadcast %ge3A_38 : i32 to vector<16xi32>
    %ge3A_40 = arith.cmpi sge, %get3A_33, %ge3A_39 : vector<16xi32>
    %select_n3A_41 = arith.select %ge3A_40, %get3A_33, %add3A_37 : vector<16xi1>, vector<16xi32>
    %swap3A_42 = arith.constant 16 : index
    %swap3A_43 = tpu.vector_load %arg14[%swap3A_42] {strides = array<i32>} : memref<128xi32, #tpu.memory_space<vmem>>, vector<16xi32>,
    tpu.vector_store %arg14[%swap3A_42], %select_n3A_41 {strides = array<i32>} : memref<128xi32, #tpu.memory_space<vmem>>, vector<16xi32>,
    %ge3A_44 = arith.constant 0 : i32
    %ge3A_45 = vector.broadcast %ge3A_44 : i32 to vector<16xi32>
    %ge3A_46 = arith.cmpi sge, %get3A_33, %ge3A_45 : vector<16xi32>
    %jit3A_47 = arith.constant 1.000000e+00 : f32
    %jit3A_48 = arith.constant 0.000000e+00 : f32
    %broadcast_in_dim3A_49 = vector.broadcast %jit3A_47 : f32 to vector<16xf32>
    %broadcast_in_dim3A_50 = vector.broadcast %jit3A_48 : f32 to vector<16xf32>
    %select_n3A_51 = arith.select %ge3A_46, %broadcast_in_dim3A_49, %broadcast_in_dim3A_50 : vector<16xi1>, vector<16xf32>
    %swap3A_52 = arith.constant 16 : index
    %swap3A_53 = tpu.vector_load %arg16[%swap3A_52] {strides = array<i32>} : memref<128xf32, #tpu.memory_space<vmem>>, vector<16xf32>,
    tpu.vector_store %arg16[%swap3A_52], %select_n3A_51 {strides = array<i32>} : memref<128xf32, #tpu.memory_space<vmem>>, vector<16xf32>,
    %get3A_54 = arith.constant 32 : index
    %get3A_55 = tpu.vector_load %arg15[%get3A_54] {strides = array<i32>} : memref<128xi32, #tpu.memory_space<vmem>>, vector<16xi32>,
    %add3A_56 = arith.constant 32 : i32
    %add3A_57 = arith.addi %mul3A_2, %add3A_56 : i32
    %add3A_58 = vector.broadcast %add3A_57 : i32 to vector<16xi32>
    %add3A_59 = arith.addi %add3A_58, %iota3A : vector<16xi32>
    %ge3A_60 = arith.constant 0 : i32
    %ge3A_61 = vector.broadcast %ge3A_60 : i32 to vector<16xi32>
    %ge3A_62 = arith.cmpi sge, %get3A_55, %ge3A_61 : vector<16xi32>
    %select_n3A_63 = arith.select %ge3A_62, %get3A_55, %add3A_59 : vector<16xi1>, vector<16xi32>
    %swap3A_64 = arith.constant 32 : index
    %swap3A_65 = tpu.vector_load %arg14[%swap3A_64] {strides = array<i32>} : memref<128xi32, #tpu.memory_space<vmem>>, vector<16xi32>,
    tpu.vector_store %arg14[%swap3A_64], %select_n3A_63 {strides = array<i32>} : memref<128xi32, #tpu.memory_space<vmem>>, vector<16xi32>,
    %ge3A_66 = arith.constant 0 : i32
    %ge3A_67 = vector.broadcast %ge3A_66 : i32 to vector<16xi32>
    %ge3A_68 = arith.cmpi sge, %get3A_55, %ge3A_67 : vector<16xi32>
    %jit3A_69 = arith.constant 1.000000e+00 : f32
    %jit3A_70 = arith.constant 0.000000e+00 : f32
    %broadcast_in_dim3A_71 = vector.broadcast %jit3A_69 : f32 to vector<16xf32>
    %broadcast_in_dim3A_72 = vector.broadcast %jit3A_70 : f32 to vector<16xf32>
    %select_n3A_73 = arith.select %ge3A_68, %broadcast_in_dim3A_71, %broadcast_in_dim3A_72 : vector<16xi1>, vector<16xf32>
    %swap3A_74 = arith.constant 32 : index
    %swap3A_75 = tpu.vector_load %arg16[%swap3A_74] {strides = array<i32>} : memref<128xf32, #tpu.memory_space<vmem>>, vector<16xf32>,
    tpu.vector_store %arg16[%swap3A_74], %select_n3A_73 {strides = array<i32>} : memref<128xf32, #tpu.memory_space<vmem>>, vector<16xf32>,
    %get3A_76 = arith.constant 48 : index
    %get3A_77 = tpu.vector_load %arg15[%get3A_76] {strides = array<i32>} : memref<128xi32, #tpu.memory_space<vmem>>, vector<16xi32>,
    %add3A_78 = arith.constant 48 : i32
    %add3A_79 = arith.addi %mul3A_2, %add3A_78 : i32
    %add3A_80 = vector.broadcast %add3A_79 : i32 to vector<16xi32>
    %add3A_81 = arith.addi %add3A_80, %iota3A : vector<16xi32>
    %ge3A_82 = arith.constant 0 : i32
    %ge3A_83 = vector.broadcast %ge3A_82 : i32 to vector<16xi32>
    %ge3A_84 = arith.cmpi sge, %get3A_77, %ge3A_83 : vector<16xi32>
    %select_n3A_85 = arith.select %ge3A_84, %get3A_77, %add3A_81 : vector<16xi1>, vector<16xi32>
    %swap3A_86 = arith.constant 48 : index
    %swap3A_87 = tpu.vector_load %arg14[%swap3A_86] {strides = array<i32>} : memref<128xi32, #tpu.memory_space<vmem>>, vector<16xi32>,
    tpu.vector_store %arg14[%swap3A_86], %select_n3A_85 {strides = array<i32>} : memref<128xi32, #tpu.memory_space<vmem>>, vector<16xi32>,
    %ge3A_88 = arith.constant 0 : i32
    %ge3A_89 = vector.broadcast %ge3A_88 : i32 to vector<16xi32>
    %ge3A_90 = arith.cmpi sge, %get3A_77, %ge3A_89 : vector<16xi32>
    %jit3A_91 = arith.constant 1.000000e+00 : f32
    %jit3A_92 = arith.constant 0.000000e+00 : f32
    %broadcast_in_dim3A_93 = vector.broadcast %jit3A_91 : f32 to vector<16xf32>
    %broadcast_in_dim3A_94 = vector.broadcast %jit3A_92 : f32 to vector<16xf32>
    %select_n3A_95 = arith.select %ge3A_90, %broadcast_in_dim3A_93, %broadcast_in_dim3A_94 : vector<16xi1>, vector<16xf32>
    %swap3A_96 = arith.constant 48 : index
    %swap3A_97 = tpu.vector_load %arg16[%swap3A_96] {strides = array<i32>} : memref<128xf32, #tpu.memory_space<vmem>>, vector<16xf32>,
    tpu.vector_store %arg16[%swap3A_96], %select_n3A_95 {strides = array<i32>} : memref<128xf32, #tpu.memory_space<vmem>>, vector<16xf32>,
    %get3A_98 = arith.constant 64 : index
    %get3A_99 = tpu.vector_load %arg15[%get3A_98] {strides = array<i32>} : memref<128xi32, #tpu.memory_space<vmem>>, vector<16xi32>,
    %add3A_100 = arith.constant 64 : i32
    %add3A_101 = arith.addi %mul3A_2, %add3A_100 : i32
    %add3A_102 = vector.broadcast %add3A_101 : i32 to vector<16xi32>
    %add3A_103 = arith.addi %add3A_102, %iota3A : vector<16xi32>
    %ge3A_104 = arith.constant 0 : i32
    %ge3A_105 = vector.broadcast %ge3A_104 : i32 to vector<16xi32>
    %ge3A_106 = arith.cmpi sge, %get3A_99, %ge3A_105 : vector<16xi32>
    %select_n3A_107 = arith.select %ge3A_106, %get3A_99, %add3A_103 : vector<16xi1>, vector<16xi32>
    %swap3A_108 = arith.constant 64 : index
    %swap3A_109 = tpu.vector_load %arg14[%swap3A_108] {strides = array<i32>} : memref<128xi32, #tpu.memory_space<vmem>>, vector<16xi32>,
    tpu.vector_store %arg14[%swap3A_108], %select_n3A_107 {strides = array<i32>} : memref<128xi32, #tpu.memory_space<vmem>>, vector<16xi32>,
    %ge3A_110 = arith.constant 0 : i32
    %ge3A_111 = vector.broadcast %ge3A_110 : i32 to vector<16xi32>
    %ge3A_112 = arith.cmpi sge, %get3A_99, %ge3A_111 : vector<16xi32>
    %jit3A_113 = arith.constant 1.000000e+00 : f32
    %jit3A_114 = arith.constant 0.000000e+00 : f32
    %broadcast_in_dim3A_115 = vector.broadcast %jit3A_113 : f32 to vector<16xf32>
    %broadcast_in_dim3A_116 = vector.broadcast %jit3A_114 : f32 to vector<16xf32>
    %select_n3A_117 = arith.select %ge3A_112, %broadcast_in_dim3A_115, %broadcast_in_dim3A_116 : vector<16xi1>, vector<16xf32>
    %swap3A_118 = arith.constant 64 : index
    %swap3A_119 = tpu.vector_load %arg16[%swap3A_118] {strides = array<i32>} : memref<128xf32, #tpu.memory_space<vmem>>, vector<16xf32>,
    tpu.vector_store %arg16[%swap3A_118], %select_n3A_117 {strides = array<i32>} : memref<128xf32, #tpu.memory_space<vmem>>, vector<16xf32>,
    %get3A_120 = arith.constant 80 : index
    %get3A_121 = tpu.vector_load %arg15[%get3A_120] {strides = array<i32>} : memref<128xi32, #tpu.memory_space<vmem>>, vector<16xi32>,
    %add3A_122 = arith.constant 80 : i32
    %add3A_123 = arith.addi %mul3A_2, %add3A_122 : i32
    %add3A_124 = vector.broadcast %add3A_123 : i32 to vector<16xi32>
    %add3A_125 = arith.addi %add3A_124, %iota3A : vector<16xi32>
    %ge3A_126 = arith.constant 0 : i32
    %ge3A_127 = vector.broadcast %ge3A_126 : i32 to vector<16xi32>
    %ge3A_128 = arith.cmpi sge, %get3A_121, %ge3A_127 : vector<16xi32>
    %select_n3A_129 = arith.select %ge3A_128, %get3A_121, %add3A_125 : vector<16xi1>, vector<16xi32>
    %swap3A_130 = arith.constant 80 : index
    %swap3A_131 = tpu.vector_load %arg14[%swap3A_130] {strides = array<i32>} : memref<128xi32, #tpu.memory_space<vmem>>, vector<16xi32>,
    tpu.vector_store %arg14[%swap3A_130], %select_n3A_129 {strides = array<i32>} : memref<128xi32, #tpu.memory_space<vmem>>, vector<16xi32>,
    %ge3A_132 = arith.constant 0 : i32
    %ge3A_133 = vector.broadcast %ge3A_132 : i32 to vector<16xi32>
    %ge3A_134 = arith.cmpi sge, %get3A_121, %ge3A_133 : vector<16xi32>
    %jit3A_135 = arith.constant 1.000000e+00 : f32
    %jit3A_136 = arith.constant 0.000000e+00 : f32
    %broadcast_in_dim3A_137 = vector.broadcast %jit3A_135 : f32 to vector<16xf32>
    %broadcast_in_dim3A_138 = vector.broadcast %jit3A_136 : f32 to vector<16xf32>
    %select_n3A_139 = arith.select %ge3A_134, %broadcast_in_dim3A_137, %broadcast_in_dim3A_138 : vector<16xi1>, vector<16xf32>
    %swap3A_140 = arith.constant 80 : index
    %swap3A_141 = tpu.vector_load %arg16[%swap3A_140] {strides = array<i32>} : memref<128xf32, #tpu.memory_space<vmem>>, vector<16xf32>,
    tpu.vector_store %arg16[%swap3A_140], %select_n3A_139 {strides = array<i32>} : memref<128xf32, #tpu.memory_space<vmem>>, vector<16xf32>,
    %get3A_142 = arith.constant 96 : index
    %get3A_143 = tpu.vector_load %arg15[%get3A_142] {strides = array<i32>} : memref<128xi32, #tpu.memory_space<vmem>>, vector<16xi32>,
    %add3A_144 = arith.constant 96 : i32
    %add3A_145 = arith.addi %mul3A_2, %add3A_144 : i32
    %add3A_146 = vector.broadcast %add3A_145 : i32 to vector<16xi32>
    %add3A_147 = arith.addi %add3A_146, %iota3A : vector<16xi32>
    %ge3A_148 = arith.constant 0 : i32
    %ge3A_149 = vector.broadcast %ge3A_148 : i32 to vector<16xi32>
    %ge3A_150 = arith.cmpi sge, %get3A_143, %ge3A_149 : vector<16xi32>
    %select_n3A_151 = arith.select %ge3A_150, %get3A_143, %add3A_147 : vector<16xi1>, vector<16xi32>
    %swap3A_152 = arith.constant 96 : index
    %swap3A_153 = tpu.vector_load %arg14[%swap3A_152] {strides = array<i32>} : memref<128xi32, #tpu.memory_space<vmem>>, vector<16xi32>,
    tpu.vector_store %arg14[%swap3A_152], %select_n3A_151 {strides = array<i32>} : memref<128xi32, #tpu.memory_space<vmem>>, vector<16xi32>,
    %ge3A_154 = arith.constant 0 : i32
    %ge3A_155 = vector.broadcast %ge3A_154 : i32 to vector<16xi32>
    %ge3A_156 = arith.cmpi sge, %get3A_143, %ge3A_155 : vector<16xi32>
    %jit3A_157 = arith.constant 1.000000e+00 : f32
    %jit3A_158 = arith.constant 0.000000e+00 : f32
    %broadcast_in_dim3A_159 = vector.broadcast %jit3A_157 : f32 to vector<16xf32>
    %broadcast_in_dim3A_160 = vector.broadcast %jit3A_158 : f32 to vector<16xf32>
    %select_n3A_161 = arith.select %ge3A_156, %broadcast_in_dim3A_159, %broadcast_in_dim3A_160 : vector<16xi1>, vector<16xf32>
    %swap3A_162 = arith.constant 96 : index
    %swap3A_163 = tpu.vector_load %arg16[%swap3A_162] {strides = array<i32>} : memref<128xf32, #tpu.memory_space<vmem>>, vector<16xf32>,
    tpu.vector_store %arg16[%swap3A_162], %select_n3A_161 {strides = array<i32>} : memref<128xf32, #tpu.memory_space<vmem>>, vector<16xf32>,
    %get3A_164 = arith.constant 112 : index
    %get3A_165 = tpu.vector_load %arg15[%get3A_164] {strides = array<i32>} : memref<128xi32, #tpu.memory_space<vmem>>, vector<16xi32>,
    %add3A_166 = arith.constant 112 : i32
    %add3A_167 = arith.addi %mul3A_2, %add3A_166 : i32
    %add3A_168 = vector.broadcast %add3A_167 : i32 to vector<16xi32>
    %add3A_169 = arith.addi %add3A_168, %iota3A : vector<16xi32>
    %ge3A_170 = arith.constant 0 : i32
    %ge3A_171 = vector.broadcast %ge3A_170 : i32 to vector<16xi32>
    %ge3A_172 = arith.cmpi sge, %get3A_165, %ge3A_171 : vector<16xi32>
    %select_n3A_173 = arith.select %ge3A_172, %get3A_165, %add3A_169 : vector<16xi1>, vector<16xi32>
    %swap3A_174 = arith.constant 112 : index
    %swap3A_175 = tpu.vector_load %arg14[%swap3A_174] {strides = array<i32>} : memref<128xi32, #tpu.memory_space<vmem>>, vector<16xi32>,
    tpu.vector_store %arg14[%swap3A_174], %select_n3A_173 {strides = array<i32>} : memref<128xi32, #tpu.memory_space<vmem>>, vector<16xi32>,
    %ge3A_176 = arith.constant 0 : i32
    %ge3A_177 = vector.broadcast %ge3A_176 : i32 to vector<16xi32>
    %ge3A_178 = arith.cmpi sge, %get3A_165, %ge3A_177 : vector<16xi32>
    %jit3A_179 = arith.constant 1.000000e+00 : f32
    %jit3A_180 = arith.constant 0.000000e+00 : f32
    %broadcast_in_dim3A_181 = vector.broadcast %jit3A_179 : f32 to vector<16xf32>
    %broadcast_in_dim3A_182 = vector.broadcast %jit3A_180 : f32 to vector<16xf32>
    %select_n3A_183 = arith.select %ge3A_178, %broadcast_in_dim3A_181, %broadcast_in_dim3A_182 : vector<16xi1>, vector<16xf32>
    %swap3A_184 = arith.constant 112 : index
    %swap3A_185 = tpu.vector_load %arg16[%swap3A_184] {strides = array<i32>} : memref<128xf32, #tpu.memory_space<vmem>>, vector<16xf32>,
    tpu.vector_store %arg16[%swap3A_184], %select_n3A_183 {strides = array<i32>} : memref<128xf32, #tpu.memory_space<vmem>>, vector<16xf32>,
    %dma_wait3A = arith.constant 0 : i32
    %dma_wait3A_186 = tpu.memref_slice %arg6[%mul3A_2, %dma_wait3A] : memref<4096x128xf32, #tpu.memory_space<hbm>> -> memref<128x128xf32, #tpu.memory_space<hbm>>
    %dma_wait3A_187 = arith.constant 0 : i32
    %dma_wait3A_188 = tpu.memref_slice %arg6[%mul3A_2, %dma_wait3A_187] : memref<4096x128xf32, #tpu.memory_space<hbm>> -> memref<128x128xf32, #tpu.memory_space<hbm>>
    tpu.wait_dma2 semaphore(%arg22 : memref<!tpu.dma_semaphore, #tpu.memory_space<semaphore_mem>>) src(%arg12 : memref<128x128xf32, #tpu.memory_space<vmem>>) dst(%dma_wait3A_188 : memref<128x128xf32, #tpu.memory_space<hbm>>)
    %dma_start3A_189 = arith.constant 0 : i32
    %dma_start3A_190 = arith.constant 0 : i32
    %dma_start3A_191 = tpu.memref_slice %arg12[%dma_start3A_189, %dma_start3A_190] : memref<128x128xf32, #tpu.memory_space<vmem>> -> memref<64x128xf32, #tpu.memory_space<vmem>>
    %dma_start3A_192 = arith.constant 0 : i32
    %dma_start3A_193 = tpu.memref_slice %arg14[%dma_start3A_192] : memref<128xi32, #tpu.memory_space<vmem>> -> memref<64xi32, #tpu.memory_space<vmem>>
    %dma_start3A_194 = arith.constant 0 : i32
    %dma_start3A_195 = arith.constant 0 : i32
    %dma_start3A_196 = tpu.memref_slice %arg3[%dma_start3A_194, %dma_start3A_195] : memref<4096x128xf32, #tpu.memory_space<hbm>> -> memref<4096x128xf32, #tpu.memory_space<hbm>>
    tpu.enqueue_indirect_dma source(%dma_start3A_196 : memref<4096x128xf32, #tpu.memory_space<hbm>>) target(%dma_start3A_191 : memref<64x128xf32, #tpu.memory_space<vmem>>) offsets(%dma_start3A_193 : memref<64xi32, #tpu.memory_space<vmem>>) semaphore(%arg19 : memref<!tpu.dma_semaphore, #tpu.memory_space<semaphore_mem>>)
    %dma_start3A_197 = arith.constant 64 : i32
    %dma_start3A_198 = arith.constant 0 : i32
    %dma_start3A_199 = tpu.memref_slice %arg12[%dma_start3A_197, %dma_start3A_198] : memref<128x128xf32, #tpu.memory_space<vmem>> -> memref<64x128xf32, #tpu.memory_space<vmem>>
    %dma_start3A_200 = arith.constant 64 : i32
    %dma_start3A_201 = tpu.memref_slice %arg14[%dma_start3A_200] : memref<128xi32, #tpu.memory_space<vmem>> -> memref<64xi32, #tpu.memory_space<vmem>>
    %dma_start3A_202 = arith.constant 0 : i32
    %dma_start3A_203 = arith.constant 0 : i32
    %dma_start3A_204 = tpu.memref_slice %arg3[%dma_start3A_202, %dma_start3A_203] : memref<4096x128xf32, #tpu.memory_space<hbm>> -> memref<4096x128xf32, #tpu.memory_space<hbm>>
    tpu.enqueue_indirect_dma source(%dma_start3A_204 : memref<4096x128xf32, #tpu.memory_space<hbm>>) target(%dma_start3A_199 : memref<64x128xf32, #tpu.memory_space<vmem>>) offsets(%dma_start3A_201 : memref<64xi32, #tpu.memory_space<vmem>>) semaphore(%arg20 : memref<!tpu.dma_semaphore, #tpu.memory_space<semaphore_mem>>)
    "tpu.region"() ({
      %run_scoped3A = tpu.sem_alloc : memref<!tpu.dma_semaphore, #tpu.memory_space<semaphore_mem>>
      %dma_start3A_263 = tpu.memref_slice %arg8[%mul3A_2] : memref<4096xf32, #tpu.memory_space<hbm>> -> memref<128xf32, #tpu.memory_space<hbm>>
      %dma_start3A_264 = tpu.memref_slice %arg8[%mul3A_2] : memref<4096xf32, #tpu.memory_space<hbm>> -> memref<128xf32, #tpu.memory_space<hbm>>
      tpu.enqueue_dma source(%arg16 : memref<128xf32, #tpu.memory_space<vmem>>) target(%dma_start3A_264 : memref<128xf32, #tpu.memory_space<hbm>>) target_semaphore(%run_scoped3A : memref<!tpu.dma_semaphore, #tpu.memory_space<semaphore_mem>>)
      %dma_wait3A_265 = tpu.memref_slice %arg8[%mul3A_2] : memref<4096xf32, #tpu.memory_space<hbm>> -> memref<128xf32, #tpu.memory_space<hbm>>
      %dma_wait3A_266 = tpu.memref_slice %arg8[%mul3A_2] : memref<4096xf32, #tpu.memory_space<hbm>> -> memref<128xf32, #tpu.memory_space<hbm>>
      tpu.wait_dma2 semaphore(%run_scoped3A : memref<!tpu.dma_semaphore, #tpu.memory_space<semaphore_mem>>) src(%arg16 : memref<128xf32, #tpu.memory_space<vmem>>) dst(%dma_wait3A_266 : memref<128xf32, #tpu.memory_space<hbm>>)
      tpu.yield
    }) : () -> ()
    %dma_wait3A_205 = arith.constant 0 : i32
    %dma_wait3A_206 = arith.constant 0 : i32
    %dma_wait3A_207 = tpu.memref_slice %arg12[%dma_wait3A_205, %dma_wait3A_206] : memref<128x128xf32, #tpu.memory_space<vmem>> -> memref<64x128xf32, #tpu.memory_space<vmem>>
    %dma_wait3A_208 = arith.constant 0 : i32
    %dma_wait3A_209 = tpu.memref_slice %arg14[%dma_wait3A_208] : memref<128xi32, #tpu.memory_space<vmem>> -> memref<64xi32, #tpu.memory_space<vmem>>
    %dma_wait3A_210 = arith.constant 0 : i32
    %dma_wait3A_211 = arith.constant 0 : i32
    %dma_wait3A_212 = tpu.memref_slice %arg3[%dma_wait3A_210, %dma_wait3A_211] : memref<4096x128xf32, #tpu.memory_space<hbm>> -> memref<4096x128xf32, #tpu.memory_space<hbm>>
    tpu.wait_indirect_dma semaphore(%arg19 : memref<!tpu.dma_semaphore, #tpu.memory_space<semaphore_mem>>) src(%dma_wait3A_212 : memref<4096x128xf32, #tpu.memory_space<hbm>>) dst(%dma_wait3A_207 : memref<64x128xf32, #tpu.memory_space<vmem>>)
    %dma_start3A_213 = arith.constant 0 : i32
    %dma_start3A_214 = arith.constant 0 : i32
    %dma_start3A_215 = tpu.memref_slice %arg12[%dma_start3A_213, %dma_start3A_214] : memref<128x128xf32, #tpu.memory_space<vmem>> -> memref<64x128xf32, #tpu.memory_space<vmem>>
    %dma_start3A_216 = arith.constant 0 : i32
    %dma_start3A_217 = tpu.memref_slice %arg7[%mul3A_2, %dma_start3A_216] : memref<4096x128xf32, #tpu.memory_space<hbm>> -> memref<64x128xf32, #tpu.memory_space<hbm>>
    %dma_start3A_218 = arith.constant 0 : i32
    %dma_start3A_219 = tpu.memref_slice %arg7[%mul3A_2, %dma_start3A_218] : memref<4096x128xf32, #tpu.memory_space<hbm>> -> memref<64x128xf32, #tpu.memory_space<hbm>>
    %dma_start3A_220 = arith.constant 0 : i32
    %dma_start3A_221 = arith.constant 0 : i32
    %dma_start3A_222 = tpu.memref_slice %arg12[%dma_start3A_220, %dma_start3A_221] : memref<128x128xf32, #tpu.memory_space<vmem>> -> memref<64x128xf32, #tpu.memory_space<vmem>>
    tpu.enqueue_dma source(%dma_start3A_222 : memref<64x128xf32, #tpu.memory_space<vmem>>) target(%dma_start3A_219 : memref<64x128xf32, #tpu.memory_space<hbm>>) target_semaphore(%arg21 : memref<!tpu.dma_semaphore, #tpu.memory_space<semaphore_mem>>)
    %dma_wait3A_223 = arith.constant 64 : i32
    %dma_wait3A_224 = arith.constant 0 : i32
    %dma_wait3A_225 = tpu.memref_slice %arg12[%dma_wait3A_223, %dma_wait3A_224] : memref<128x128xf32, #tpu.memory_space<vmem>> -> memref<64x128xf32, #tpu.memory_space<vmem>>
    %dma_wait3A_226 = arith.constant 64 : i32
    %dma_wait3A_227 = tpu.memref_slice %arg14[%dma_wait3A_226] : memref<128xi32, #tpu.memory_space<vmem>> -> memref<64xi32, #tpu.memory_space<vmem>>
    %dma_wait3A_228 = arith.constant 0 : i32
    %dma_wait3A_229 = arith.constant 0 : i32
    %dma_wait3A_230 = tpu.memref_slice %arg3[%dma_wait3A_228, %dma_wait3A_229] : memref<4096x128xf32, #tpu.memory_space<hbm>> -> memref<4096x128xf32, #tpu.memory_space<hbm>>
    tpu.wait_indirect_dma semaphore(%arg20 : memref<!tpu.dma_semaphore, #tpu.memory_space<semaphore_mem>>) src(%dma_wait3A_230 : memref<4096x128xf32, #tpu.memory_space<hbm>>) dst(%dma_wait3A_225 : memref<64x128xf32, #tpu.memory_space<vmem>>)
    %add3A_231 = arith.constant 64 : i32
    %add3A_232 = arith.addi %mul3A_2, %add3A_231 : i32
    %dma_start3A_233 = arith.constant 64 : i32
    %dma_start3A_234 = arith.constant 0 : i32
    %dma_start3A_235 = tpu.memref_slice %arg12[%dma_start3A_233, %dma_start3A_234] : memref<128x128xf32, #tpu.memory_space<vmem>> -> memref<64x128xf32, #tpu.memory_space<vmem>>
    %dma_start3A_236 = arith.constant 0 : i32
    %dma_start3A_237 = tpu.memref_slice %arg7[%add3A_232, %dma_start3A_236] : memref<4096x128xf32, #tpu.memory_space<hbm>> -> memref<64x128xf32, #tpu.memory_space<hbm>>
    %dma_start3A_238 = arith.constant 0 : i32
    %dma_start3A_239 = tpu.memref_slice %arg7[%add3A_232, %dma_start3A_238] : memref<4096x128xf32, #tpu.memory_space<hbm>> -> memref<64x128xf32, #tpu.memory_space<hbm>>
    %dma_start3A_240 = arith.constant 64 : i32
    %dma_start3A_241 = arith.constant 0 : i32
    %dma_start3A_242 = tpu.memref_slice %arg12[%dma_start3A_240, %dma_start3A_241] : memref<128x128xf32, #tpu.memory_space<vmem>> -> memref<64x128xf32, #tpu.memory_space<vmem>>
    tpu.enqueue_dma source(%dma_start3A_242 : memref<64x128xf32, #tpu.memory_space<vmem>>) target(%dma_start3A_239 : memref<64x128xf32, #tpu.memory_space<hbm>>) target_semaphore(%arg22 : memref<!tpu.dma_semaphore, #tpu.memory_space<semaphore_mem>>)
    %dma_wait3A_243 = arith.constant 0 : i32
    %dma_wait3A_244 = arith.constant 0 : i32
    %dma_wait3A_245 = tpu.memref_slice %arg12[%dma_wait3A_243, %dma_wait3A_244] : memref<128x128xf32, #tpu.memory_space<vmem>> -> memref<64x128xf32, #tpu.memory_space<vmem>>
    %dma_wait3A_246 = arith.constant 0 : i32
    %dma_wait3A_247 = tpu.memref_slice %arg7[%mul3A_2, %dma_wait3A_246] : memref<4096x128xf32, #tpu.memory_space<hbm>> -> memref<64x128xf32, #tpu.memory_space<hbm>>
    %dma_wait3A_248 = arith.constant 0 : i32
    %dma_wait3A_249 = tpu.memref_slice %arg7[%mul3A_2, %dma_wait3A_248] : memref<4096x128xf32, #tpu.memory_space<hbm>> -> memref<64x128xf32, #tpu.memory_space<hbm>>
    %dma_wait3A_250 = arith.constant 0 : i32
    %dma_wait3A_251 = arith.constant 0 : i32
    %dma_wait3A_252 = tpu.memref_slice %arg12[%dma_wait3A_250, %dma_wait3A_251] : memref<128x128xf32, #tpu.memory_space<vmem>> -> memref<64x128xf32, #tpu.memory_space<vmem>>
    tpu.wait_dma2 semaphore(%arg21 : memref<!tpu.dma_semaphore, #tpu.memory_space<semaphore_mem>>) src(%dma_wait3A_252 : memref<64x128xf32, #tpu.memory_space<vmem>>) dst(%dma_wait3A_249 : memref<64x128xf32, #tpu.memory_space<hbm>>)
    %dma_wait3A_253 = arith.constant 64 : i32
    %dma_wait3A_254 = arith.constant 0 : i32
    %dma_wait3A_255 = tpu.memref_slice %arg12[%dma_wait3A_253, %dma_wait3A_254] : memref<128x128xf32, #tpu.memory_space<vmem>> -> memref<64x128xf32, #tpu.memory_space<vmem>>
    %dma_wait3A_256 = arith.constant 0 : i32
    %dma_wait3A_257 = tpu.memref_slice %arg7[%add3A_232, %dma_wait3A_256] : memref<4096x128xf32, #tpu.memory_space<hbm>> -> memref<64x128xf32, #tpu.memory_space<hbm>>
    %dma_wait3A_258 = arith.constant 0 : i32
    %dma_wait3A_259 = tpu.memref_slice %arg7[%add3A_232, %dma_wait3A_258] : memref<4096x128xf32, #tpu.memory_space<hbm>> -> memref<64x128xf32, #tpu.memory_space<hbm>>
    %dma_wait3A_260 = arith.constant 64 : i32
    %dma_wait3A_261 = arith.constant 0 : i32
    %dma_wait3A_262 = tpu.memref_slice %arg12[%dma_wait3A_260, %dma_wait3A_261] : memref<128x128xf32, #tpu.memory_space<vmem>> -> memref<64x128xf32, #tpu.memory_space<vmem>>
    tpu.wait_dma2 semaphore(%arg22 : memref<!tpu.dma_semaphore, #tpu.memory_space<semaphore_mem>>) src(%dma_wait3A_262 : memref<64x128xf32, #tpu.memory_space<vmem>>) dst(%dma_wait3A_259 : memref<64x128xf32, #tpu.memory_space<hbm>>)
    "tpu.trace_stop"() : () -> ()
    return
  }
}

module attributes {stable_mosaic.version = 14 : i64} {
  func.func @_tc_body(%arg0: i32, %arg1: memref<1024x128xf32, #tpu.memory_space<vmem>>, %arg2: memref<1024x128xf32, #tpu.memory_space<vmem>>, %arg3: memref<1x8x128xf32, #tpu.memory_space<vmem>>, %arg4: memref<128x512xf32, #tpu.memory_space<vmem>>, %arg5: memref<1x512xf32, #tpu.memory_space<vmem>>, %arg6: memref<512x128xf32, #tpu.memory_space<vmem>>, %arg7: memref<1x128xf32, #tpu.memory_space<vmem>>, %arg8: memref<1024x128xf32, #tpu.memory_space<vmem>>) attributes {dimension_semantics = [#tpu.dimension_semantics<arbitrary>], iteration_bounds = array<i64: 4>, scalar_prefetch = 0 : i64, scratch_operands = 0 : i64, tpu.core_type = #tpu.core_type<tc>, window_params = [{transform_indices = @transform_0, window_bounds = array<i64: 1024, 128>}, {transform_indices = @transform_1, window_bounds = array<i64: 1024, 128>}, {transform_indices = @transform_2, window_bounds = array<i64: 1, 8, 128>}, {pipeline_mode = #tpu.pipeline_mode<synchronous>, transform_indices = @transform_3, window_bounds = array<i64: 128, 512>}, {pipeline_mode = #tpu.pipeline_mode<synchronous>, transform_indices = @transform_4, window_bounds = array<i64: 1, 512>}, {pipeline_mode = #tpu.pipeline_mode<synchronous>, transform_indices = @transform_5, window_bounds = array<i64: 512, 128>}, {pipeline_mode = #tpu.pipeline_mode<synchronous>, transform_indices = @transform_6, window_bounds = array<i64: 1, 128>}, {transform_indices = @transform_7, window_bounds = array<i64: 1024, 128>}]} {
    %iota3A = tpu.iota {dimensions = array<i32: 0>} : vector<1024x128xi32>
    %iota3A_0 = tpu.iota {dimensions = array<i32: 1>} : vector<1024x128xi32>
    %iota3A_1 = tpu.iota {dimensions = array<i32: 1>} : vector<1024x8xi32>
    %slice3A = vector.extract_strided_slice %iota3A {offsets = [0, 0], sizes = [1024, 8], strides = [1, 1]} : vector<1024x128xi32> to vector<1024x8xi32>
    %shift_right_arithmetic3A = arith.constant 7 : i32
    %shift_right_arithmetic3A_2 = vector.broadcast %shift_right_arithmetic3A : i32 to vector<1024x8xi32>
    %shift_right_arithmetic3A_3 = arith.shrsi %slice3A, %shift_right_arithmetic3A_2 : vector<1024x8xi32>
    %eq3A = arith.cmpi eq, %shift_right_arithmetic3A_3, %iota3A_1 : vector<1024x8xi32>
    %convert_element_type3A = arith.extui %eq3A : vector<1024x8xi1> to vector<1024x8xi32>
    %convert_element_type3A_4 = arith.sitofp %convert_element_type3A : vector<1024x8xi32> to vector<1024x8xf32>
    %and3A = arith.constant 127 : i32
    %and3A_5 = vector.broadcast %and3A : i32 to vector<1024x128xi32>
    %and3A_6 = arith.andi %iota3A, %and3A_5 : vector<1024x128xi32>
    %eq3A_7 = arith.cmpi eq, %and3A_6, %iota3A_0 : vector<1024x128xi32>
    %convert_element_type3A_8 = arith.extui %eq3A_7 : vector<1024x128xi1> to vector<1024x128xi32>
    %convert_element_type3A_9 = arith.sitofp %convert_element_type3A_8 : vector<1024x128xi32> to vector<1024x128xf32>
    %get3A = arith.constant 0 : index
    %get3A_10 = arith.constant 0 : index
    %get3A_11 = arith.constant 0 : index
    %get3A_12 = vector.load %arg3[%get3A, %get3A_10, %get3A_11] : memref<1x8x128xf32, #tpu.memory_space<vmem>>, vector<1x8x128xf32>
    %reshape3A = vector.shape_cast %get3A_12 : vector<1x8x128xf32> to vector<8x128xf32>
    %dot_general3A = arith.constant dense<0.000000e+00> : vector<1024x128xf32>
    %dot_general3A_13 = tpu.matmul %convert_element_type3A_4, %reshape3A, %dot_general3A {dimension_numbers = #tpu.dot_dimension_numbers<[1], [0], [0], [1], [0, 0, 1, 1], [], []>, transpose_lhs_hint = false} : vector<1024x8xf32>, vector<8x128xf32>, vector<1024x128xf32> -> vector<1024x128xf32>
    %mul3A = arith.mulf %dot_general3A_13, %convert_element_type3A_9 : vector<1024x128xf32>
    %broadcast_in_dim3A = arith.constant 1.000000e+00 : f32
    %broadcast_in_dim3A_14 = vector.broadcast %broadcast_in_dim3A : f32 to vector<128x128xf32>
    %dot_general3A_15 = arith.constant dense<0.000000e+00> : vector<1024x128xf32>
    %dot_general3A_16 = tpu.matmul %mul3A, %broadcast_in_dim3A_14, %dot_general3A_15 {dimension_numbers = #tpu.dot_dimension_numbers<[1], [0], [0], [1], [0, 0, 1, 1], [], []>, transpose_lhs_hint = false} : vector<1024x128xf32>, vector<128x128xf32>, vector<1024x128xf32> -> vector<1024x128xf32>
    %get3A_17 = arith.constant 0 : index
    %get3A_18 = arith.constant 0 : index
    %get3A_19 = vector.load %arg1[%get3A_17, %get3A_18] : memref<1024x128xf32, #tpu.memory_space<vmem>>, vector<1024x128xf32>
    %mul3A_20 = arith.constant 9.900000e-01 : f32
    %mul3A_21 = vector.broadcast %mul3A_20 : f32 to vector<1024x128xf32>
    %mul3A_22 = arith.mulf %mul3A_21, %get3A_19 : vector<1024x128xf32>
    %get3A_23 = arith.constant 0 : index
    %get3A_24 = arith.constant 0 : index
    %get3A_25 = vector.load %arg2[%get3A_23, %get3A_24] : memref<1024x128xf32, #tpu.memory_space<vmem>>, vector<1024x128xf32>
    %mul3A_26 = arith.constant 9.900000e-01 : f32
    %mul3A_27 = vector.broadcast %mul3A_26 : f32 to vector<1024x128xf32>
    %mul3A_28 = arith.mulf %mul3A_27, %get3A_19 : vector<1024x128xf32>
    %sub3A = arith.subf %get3A_25, %mul3A_28 : vector<1024x128xf32>
    %mul3A_29 = arith.mulf %dot_general3A_16, %sub3A : vector<1024x128xf32>
    %add3A = arith.addf %mul3A_22, %mul3A_29 : vector<1024x128xf32>
    %convert_element_type3A_30 = arith.truncf %add3A : vector<1024x128xf32> to vector<1024x128xbf16>
    %get3A_31 = arith.constant 0 : index
    %get3A_32 = arith.constant 0 : index
    %get3A_33 = vector.load %arg4[%get3A_31, %get3A_32] : memref<128x512xf32, #tpu.memory_space<vmem>>, vector<128x512xf32>
    %convert_element_type3A_34 = arith.truncf %get3A_33 : vector<128x512xf32> to vector<128x512xbf16>
    %dot_general3A_35 = arith.constant dense<0.000000e+00> : vector<1024x512xf32>
    %dot_general3A_36 = tpu.matmul %convert_element_type3A_30, %convert_element_type3A_34, %dot_general3A_35 {dimension_numbers = #tpu.dot_dimension_numbers<[1], [0], [0], [1], [0, 0, 1, 1], [], []>, transpose_lhs_hint = false} : vector<1024x128xbf16>, vector<128x512xbf16>, vector<1024x512xf32> -> vector<1024x512xf32>
    %get3A_37 = arith.constant 0 : index
    %get3A_38 = arith.constant 0 : index
    %get3A_39 = vector.load %arg5[%get3A_37, %get3A_38] : memref<1x512xf32, #tpu.memory_space<vmem>>, vector<1x512xf32>
    %add3A_40 = vector.broadcast %get3A_39 : vector<1x512xf32> to vector<1024x512xf32>
    %add3A_41 = arith.addf %dot_general3A_36, %add3A_40 : vector<1024x512xf32>
    %max3A = arith.constant 0.000000e+00 : f32
    %max3A_42 = vector.broadcast %max3A : f32 to vector<1024x512xf32>
    %max3A_43 = arith.maximumf %add3A_41, %max3A_42 : vector<1024x512xf32>
    %convert_element_type3A_44 = arith.truncf %max3A_43 : vector<1024x512xf32> to vector<1024x512xbf16>
    %get3A_45 = arith.constant 0 : index
    %get3A_46 = arith.constant 0 : index
    %get3A_47 = vector.load %arg6[%get3A_45, %get3A_46] : memref<512x128xf32, #tpu.memory_space<vmem>>, vector<512x128xf32>
    %convert_element_type3A_48 = arith.truncf %get3A_47 : vector<512x128xf32> to vector<512x128xbf16>
    %dot_general3A_49 = arith.constant dense<0.000000e+00> : vector<1024x128xf32>
    %dot_general3A_50 = tpu.matmul %convert_element_type3A_44, %convert_element_type3A_48, %dot_general3A_49 {dimension_numbers = #tpu.dot_dimension_numbers<[1], [0], [0], [1], [0, 0, 1, 1], [], []>, transpose_lhs_hint = false} : vector<1024x512xbf16>, vector<512x128xbf16>, vector<1024x128xf32> -> vector<1024x128xf32>
    %get3A_51 = arith.constant 0 : index
    %get3A_52 = arith.constant 0 : index
    %get3A_53 = vector.load %arg7[%get3A_51, %get3A_52] : memref<1x128xf32, #tpu.memory_space<vmem>>, vector<1x128xf32>
    %add3A_54 = vector.broadcast %get3A_53 : vector<1x128xf32> to vector<1024x128xf32>
    %add3A_55 = arith.addf %dot_general3A_50, %add3A_54 : vector<1024x128xf32>
    %swap3A = arith.constant 0 : index
    %swap3A_56 = arith.constant 0 : index
    %swap3A_57 = vector.load %arg8[%swap3A, %swap3A_56] : memref<1024x128xf32, #tpu.memory_space<vmem>>, vector<1024x128xf32>
    tpu.vector_store %arg8[%swap3A, %swap3A_56], %add3A_55 {strides = array<i32>} : memref<1024x128xf32, #tpu.memory_space<vmem>>, vector<1024x128xf32>,
    return
  }
  func.func @transform_0(%arg0: i32) -> (i32, i32) {
    %c0_i32 = arith.constant 0 : i32
    %c0_i32_0 = arith.constant 0 : i32
    return %arg0, %c0_i32 : i32, i32
  }
  func.func @transform_1(%arg0: i32) -> (i32, i32) {
    %c0_i32 = arith.constant 0 : i32
    %c0_i32_0 = arith.constant 0 : i32
    return %arg0, %c0_i32 : i32, i32
  }
  func.func @transform_2(%arg0: i32) -> (i32, i32, i32) {
    %c0_i32 = arith.constant 0 : i32
    %c0_i32_0 = arith.constant 0 : i32
    %c0_i32_1 = arith.constant 0 : i32
    return %arg0, %c0_i32, %c0_i32_0 : i32, i32, i32
  }
  func.func @transform_3(%arg0: i32) -> (i32, i32) {
    %c0_i32 = arith.constant 0 : i32
    %c0_i32_0 = arith.constant 0 : i32
    %c0_i32_1 = arith.constant 0 : i32
    return %c0_i32, %c0_i32_0 : i32, i32
  }
  func.func @transform_4(%arg0: i32) -> (i32, i32) {
    %c0_i32 = arith.constant 0 : i32
    %c0_i32_0 = arith.constant 0 : i32
    %c0_i32_1 = arith.constant 0 : i32
    return %c0_i32, %c0_i32_0 : i32, i32
  }
  func.func @transform_5(%arg0: i32) -> (i32, i32) {
    %c0_i32 = arith.constant 0 : i32
    %c0_i32_0 = arith.constant 0 : i32
    %c0_i32_1 = arith.constant 0 : i32
    return %c0_i32, %c0_i32_0 : i32, i32
  }
  func.func @transform_6(%arg0: i32) -> (i32, i32) {
    %c0_i32 = arith.constant 0 : i32
    %c0_i32_0 = arith.constant 0 : i32
    %c0_i32_1 = arith.constant 0 : i32
    return %c0_i32, %c0_i32_0 : i32, i32
  }
  func.func @transform_7(%arg0: i32) -> (i32, i32) {
    %c0_i32 = arith.constant 0 : i32
    %c0_i32_0 = arith.constant 0 : i32
    return %arg0, %c0_i32 : i32, i32
  }
}

</mosaic_0001>

<sc_bundles>
// kernel: kernel.4.cloned.1.call-start
scs
__scs_entry_jumppad:
0x0: {  	(pc) =	sbr.rel $0x88, $3  }
0x1: {  	(tag) =	ssettag $0x0;
	lr =	simm.s32 $0x1  }
0x2: {  	[smem:$0x3F99] =	sst lr;
	_ =	strace $0xD0000000  }
0x3: {  	_ = 	snop  }
0x4: {  	_ = 	snop  }
0x5: {  	_ = 	snop  }
0x6: {  	_ = 	snop  }
0x7: {  	_ = 	snop  }
__scs_overlays_trampoline_lowered:
0x8: {  	[smem:$0x3FA8] =	sst s0  }
0x9: {  	[smem:$0x3FA9] =	sst s1  }
0xa: {  	[smem:$0x3FAA] =	sst s2  }
0xb: {  	[smem:$0x3FAB] =	sst s3  }
0xc: {  	[smem:$0x3FAC] =	sst s4  }
0xd: {  	[smem:$0x3FAD] =	sst s5  }
0xe: {  	[smem:$0x3FAE] =	sst s6  }
0xf: {  	[smem:$0x3FAF] =	sst s7  }
0x10: {  	[smem:$0x3FB0] =	sst s8  }
0x11: {  	[smem:$0x3FB1] =	sst s9;
	s0 =	simm.s32 @!p0 $0x0  }
0x12: {  	s1 =	sld [smem:$0x3F97];
	s0 =	simm.s32 @p0 $0x1  }
0x13: {  	[smem:$0x3FB2] =	sst s0;
	s0 =	simm.s32 @!p1 $0x0  }
0x14: {  	s2 =	sld [smem:$0x3F96];
	s0 =	simm.s32 @p1 $0x1  }
0x15: {  	[smem:$0x3FB3] =	sst s0;
	s0 =	simm.s32 @!p2 $0x0  }
0x16: {  	s3 =	sld [smem:$0x3FDB];
	s0 =	simm.s32 @p2 $0x1  }
0x17: {  	s4 =	simm.s32 $0x1BF5;
	[smem:$0x3FB5] =	sst s0  }
0x18: {  	s0 =	sld [smem:$0x3F98];
	_ =	swait.ge [sflag:s4], $0x0  }
0x19: {  	s7 =	sld [smem:$0x3F99]  }
0x1a: {  	s8 =	sadd.s32 $0xFFFFE003, lr  }
0x1b: {  	s9 =	sadd.s32 $0xFFFFFEF7, lr;
	s5 =	simm.s32 $0xFFFFFFFF;
	p2 =	slt.u32 s8, $0xFFFFF086  }
0x1c: {  	p1 =	slt.u32 s9, $0xF7A;
	s5 =	simm.s32 @!p2 $0x0  }
0x1d: {  	s5 =	simm.s32 @p1 $0x1;
	p0 =	seq.s32 s7, s2  }
0x1e: {  	s7 =	smul.u32 @!p0 $0xF7A, s2;
	p2 =	seq.s32 @!p0 s5, $0x0  }
0x1f: {  	s9 =	smul.u32 $0xF7A, s1;
	s8 =	simm.s32 @!p0 $0x1BF5;
	p2 =	por !p2, p0  }
0x20: {  	[sflag:s8] =	ssyncset.s32 @!p0 $0xFFFFF086;
	s6 =	sadd.s32 @!p0 s3, s7;
	s7 =	simm.s32 @!p0 $0x108  }
0x21: {  	s3 =	sadd.s32 s3, s9;
	s6 =	sadd.s32 @!p0 $0x88, s6;
	s7 =	simm.s32 @p2 $0x1082  }
0x22: {  	[simem:s7], [sflag:s8] =	dma.local @!p0 [hbm:s6], $0xF7A  }
0x23: {  	s9 =	sor.u32 $0xD0000000, s2;
	s6 =	simm.s32 $0x108;
	_ =	swait.ge @!p0 [sflag:s8], $0x0  }
0x24: {  	s3 =	sadd.s32 $0x88, s3;
	s6 =	simm.s32 @!p1 $0x1082;
	[sflag:s4] =	ssyncset.s32 $0xFFFFF086  }
0x25: {  	[simem:s6], [sflag:s4] =	dma.local [hbm:s3], $0xF7A  }
0x26: {  	[smem:$0x3F99] =	sst s1;
	(tag) =	ssettag s2;
	_ =	strace s9  }
0x27: {  	s1 =	sld [smem:$0x3FA9]  }
0x28: {  	s2 =	sld [smem:$0x3FAA]  }
0x29: {  	s4 =	sld [smem:$0x3FAC]  }
0x2a: {  	p0 =	seq.s32 s5, $0x0;
	s5 =	sld [smem:$0x3FAD]  }
0x2b: {  	s6 =	sld [smem:$0x3FAE]  }
0x2c: {  	s7 =	sld [smem:$0x3FAF]  }
0x2d: {  	s3 =	simm.s32 $0x108;
	s8 =	sld [smem:$0x3FB0]  }
0x2e: {  	s3 =	simm.s32 @!p0 $0x1082;
	s9 =	sld [smem:$0x3FB1]  }
0x2f: {  	lr =	sadd.s32 s0, s3;
	s0 =	sld [smem:$0x3FA8]  }
0x30: {  	s3 =	sld [smem:$0x3FAB]  }
0x31: {  	[smem:$0x3FB4] =	sst s10  }
0x32: {  	s10 =	sld [smem:$0x3FB2];
	_ =	sdelay $0x3  }
0x33: {  	p0 =	seq.s32 s10, $0x1;
	s10 =	sld [smem:$0x3FB4];
	_ =	sdelay $0x3  }
0x34: {  	[smem:$0x3FB4] =	sst s10  }
0x35: {  	s10 =	sld [smem:$0x3FB3];
	_ =	sdelay $0x3  }
0x36: {  	p1 =	seq.s32 s10, $0x1;
	s10 =	sld [smem:$0x3FB4];
	_ =	sdelay $0x3  }
0x37: {  	[smem:$0x3FB4] =	sst s10  }
0x38: {  	s10 =	sld [smem:$0x3FB5]  }
0x39: {  	_ = 	snop;
	(pc) =	sbr.ind lr, $3  }
0x3a: {  	_ = 	snop  }
0x3b: {  	_ = 	snop  }
0x3c: {  	p2 =	seq.s32 s10, $0x1;
	s10 =	sld [smem:$0x3FB4]  }
0x3d: {  	_ =	shalt  }
0x3e: {  	_ =	shalt  }
0x3f: {  	_ =	shalt  }
0x40: {  	_ =	shalt  }
0x41: {  	_ =	shalt  }
0x42: {  	_ =	shalt  }
0x43: {  	_ =	shalt  }
0x44: {  	_ =	shalt  }
0x45: {  	_ =	shalt  }
0x46: {  	_ =	shalt  }
0x47: {  	_ =	shalt  }
0x48: {  	_ =	shalt  }
0x49: {  	_ =	shalt  }
0x4a: {  	_ =	shalt  }
0x4b: {  	_ =	shalt  }
0x4c: {  	_ =	shalt  }
0x4d: {  	_ =	shalt  }
0x4e: {  	_ =	shalt  }
0x4f: {  	_ =	shalt  }
0x50: {  	_ =	shalt  }
0x51: {  	_ =	shalt  }
0x52: {  	_ =	shalt  }
0x53: {  	_ =	shalt  }
0x54: {  	_ =	shalt  }
0x55: {  	_ =	shalt  }
0x56: {  	_ =	shalt  }
0x57: {  	_ =	shalt  }
0x58: {  	_ =	shalt  }
0x59: {  	_ =	shalt  }
0x5a: {  	_ =	shalt  }
0x5b: {  	_ =	shalt  }
0x5c: {  	_ =	shalt  }
0x5d: {  	_ =	shalt  }
0x5e: {  	_ =	shalt  }
0x5f: {  	_ =	shalt  }
0x60: {  	_ =	shalt  }
0x61: {  	_ =	shalt  }
0x62: {  	_ =	shalt  }
0x63: {  	_ =	shalt  }
0x64: {  	_ =	shalt  }
0x65: {  	_ =	shalt  }
0x66: {  	_ =	shalt  }
0x67: {  	_ =	shalt  }
0x68: {  	_ =	shalt  }
0x69: {  	_ =	shalt  }
0x6a: {  	_ =	shalt  }
0x6b: {  	_ =	shalt  }
0x6c: {  	_ =	shalt  }
0x6d: {  	_ =	shalt  }
0x6e: {  	_ =	shalt  }
0x6f: {  	_ =	shalt  }
0x70: {  	_ =	shalt  }
0x71: {  	_ =	shalt  }
0x72: {  	_ =	shalt  }
0x73: {  	_ =	shalt  }
0x74: {  	_ =	shalt  }
0x75: {  	_ =	shalt  }
0x76: {  	_ =	shalt  }
0x77: {  	_ =	shalt  }
0x78: {  	_ =	shalt  }
0x79: {  	_ =	shalt  }
0x7a: {  	_ =	shalt  }
0x7b: {  	_ =	shalt  }
0x7c: {  	_ =	shalt  }
0x7d: {  	_ =	shalt  }
0x7e: {  	_ =	shalt  }
0x7f: {  	_ =	shalt  }
0x80: {  	_ =	shalt  }
0x81: {  	_ =	shalt  }
0x82: {  	_ =	shalt  }
0x83: {  	_ =	shalt  }
0x84: {  	_ =	shalt  }
0x85: {  	_ =	shalt  }
0x86: {  	_ =	shalt  }
0x87: {  	_ =	shalt  }
.Lfunc_end0:
.L_simem_size_0:
called_computation_lowered:
.L_overlay_start_0:
0x88: {  	s2 =	sld [smem:$0x3FD9]  }
0x89: {  	s3 =	sld [smem:$0x3FFE];
	_ =	sdelay $0x1  }
0x8a: {  	s1 =	srdreg.scid  }
0x8b: {  	s0 =	sand.u32 $0x1, s1  }
0x8c: {  	s17 =	sshll.u32 s0, $0xA;
	s2 =	sadd.s32 s3, s2  }
0x8d: {  	s2 =	sadd.s32 s2, s17  }
0x8e: {  	[smem:$0x3FC0] =	sst s2  }
0x8f: {  	_ = 	snop  }
0x90: {  	s2 =	sld [smem:$0x3FC9]  }
0x91: {  	s18 =	sld [smem:$0x3FC8]  }
0x92: {  	s4 =	sld [smem:$0x3FC7]  }
0x93: {  	s5 =	sld [smem:$0x3FC6]  }
0x94: {  	s6 =	sld [smem:$0x3FD0];
	(tm) =	ssettm $0x1  }
0x95: {  	s7 =	sld [smem:$0x3FFB];
	_ =	sdelay $0x3  }
0x96: {  	_ =	strace s7  }
0x97: {  	s7 =	sld [smem:$0x3FFC];
	_ =	sdelay $0x3  }
0x98: {  	_ =	strace s7  }
0x99: {  	s7 =	sld [smem:$0x3FFD];
	_ =	sdelay $0x3  }
0x9a: {  	_ =	strace s7  }
0x9b: {  	_ =	strace $0x8FFFFFFF  }
0x9c: {  	s19 =	sld [smem:$0x3FDB];
	_ =	sdelay $0x1  }
0x9d: {  	s8 =	simm.s32 $_scs_section_size  }
0x9e: {  	s9 =	simm.s32 $_size__tile_overlayer_lowered;
	s10 =	simm.s32 $_tile_overlayer_lowered  }
0x9f: {  	s22 =	simm.s32 $0x1BFF;
	s21 =	sshll.u32 s10, $0x1;
	s7 =	sadd.s32 s8, s19  }
0xa0: {  	s11 =	simm.s32 $0x0;
	s20 =	sshll.u32 s9, $0x1;
	s9 =	sadd.s32 s21, s7  }
0xa1: {  	[timem:s11], [sflag:s22] =	dma.local [hbm:s9], s20  }
0xa2: {  	_ =	swait.ge [sflag:s22], s20  }
0xa3: {  	s8 =	ssub.s32 $0x0, s20;
	[sflag:s22] =	ssyncset.done $0x0  }
0xa4: {  	[sflag:s22] =	ssyncadd.s32 s8;
	_ =	sdelay $0x1  }
0xa5: {  	s23 =	simm.s32 $0x1B8B  }
0xa6: {  	_ =	swait.ge [sflag:s23], $0x1  }
0xa7: {  	[sflag:s23] =	ssyncset.done $0x0  }
0xa8: {  	s25 =	simm.s32 $0x1B8E;
	s24 =	sld [smem:$0x3FFE];
	[sflag:s23] =	ssyncadd.s32 $0xFFFFFFFF  }
0xa9: {  	s26 =	simm.s32 $execute0_lowered;
	[smem:$0x3FD2] =	sst s25  }
0xaa: {  	s9 =	sshll.u32 s26, $0x1;
	_ =	strace $0x80000046;
	[dreg:$0x1] =	wrdreg $0xFFFFFFFF  }
0xab: {  	s28 =	simm.s32 $_size_execute0_lowered;
	s7 =	sadd.s32 s7, s9;
	[dreg:$0x0] =	wrdreg $0x0  }
0xac: {  	s9 =	sshll.u32 s28, $0x1;
	[dreg:$0x2] =	wrdreg s7  }
0xad: {  	[dreg:$0x3] =	wrdreg s9  }
0xae: {  	[dreg:$0x4] =	wrdreg $0xC0  }
0xaf: {  	_ =	task [dreg:s11], $0x5FFFF  }
0xb0: {  	[dreg:$0x1] =	wrdreg $0xFFFFFFFF  }
0xb1: {  	[dreg:$0x0] =	wrdreg $0x60  }
0xb2: {  	[dreg:$0x2] =	wrdreg s2  }
0xb3: {  	[dreg:$0x3] =	wrdreg s18  }
0xb4: {  	[dreg:$0x4] =	wrdreg s4  }
0xb5: {  	[dreg:$0x5] =	wrdreg s5  }
0xb6: {  	[dreg:$0x6] =	wrdreg s6  }
0xb7: {  	[dreg:$0x7] =	wrdreg s24  }
0xb8: {  	[dreg:$0x8] =	wrdreg $0x1E9800  }
0xb9: {  	[dreg:$0x9] =	wrdreg $0x9  }
0xba: {  	_ =	task.clear_ibuf [dreg:s11], $0xAFFFF;
	_ =	strace $0x90000046  }
0xbb: {  	s29 =	simm.s32 $0x9;
	_ =	strace $0x8000004E  }
0xbc: {  	_ =	swait.ge [sflag:s29], $0x1  }
0xbd: {  	[sflag:s29] =	ssyncadd.s32 $0xFFFFFFFF  }
0xbe: {  	_ =	strace $0x9000004E  }
0xbf: {  	_ =	sfence  }
0xc0: {  	s30 =	sld [smem:$0x0];
	_ =	sdelay $0x2  }
0xc1: {  	s31 =	sshll.u32 s1, $0xD;
	s1 =	sshrl.u32 s1, $0x2  }
0xc2: {  	s3 =	sand.u32 $0x4000, s31;
	s1 =	sadd.s32 s1, s30  }
0xc3: {  	s0 =	sor.u32 s3, s0;
	s1 =	sshll.u32 s1, $0x11  }
0xc4: {  	s0 =	sor.u32 s1, s0  }
0xc5: {  	s0 =	sadd.s32 $0x8F2B, s0  }
0xc6: {  	[sflag:s0] =	ssyncadd.remote.s32 $0x1  }
0xc7: {  	_ =	sfence.sel $0xFFFF  }
0xc8: {  	[dreg:$0x0] =	wrdreg $0xFFFFFFFF;
	(pc) =	sbr.abs _section_cstart, $3  }
0xc9: {  	[dreg:$0x1] =	wrdreg $0xFFFFFFFF  }
0xca: {  	_ =	task.clear_ibuf [dreg:s11], $0x2FFFF;
	_ =	strace $0x9FFFFFFF  }
0xcb: {  	(tm) =	ssettm $0x7FFFFFFF  }
tec
execute0_lowered:
.L_overlay_start_1:
0x0: {  	(tag) =	ssettag $0x1  }
0x1: {  	s1 =	rddreg [dreg:$0x0]  }
0x2: {  	s10 =	rddreg [dreg:$0x3]  }
0x3: {  	s0 =	rddreg [dreg:$0x4]  }
0x4: {  	s2 =	rddreg [dreg:$0x5]  }
0x5: {  	s11 =	rddreg [dreg:$0x6];
	s3 =	srdreg.scid  }
0x6: {  	s4 =	stileid.u32;
	s6 =	simm.s32 $0x0;
	s15 =	simm.s32 $0x1E700  }
0x7: {  	s16 =	simm.s32 $0x5;
	s18 =	simm.s32 $0x1A700;
	s19 =	simm.s32 $0x2  }
0x8: {  	s20 =	simm.s32 $0x3;
	s28 =	simm.s32 $0x1E960;
	s29 =	simm.s32 $0x1E970  }
0x9: {  	s30 =	simm.s32 $0x1;
	s31 =	simm.s32 $0x18700;
	s3 =	sand.u32 $0x1, s3  }
0xa: {  	s5 =	sshll.u32 s4, $0x8;
	[smem:$0x7FF] =	sst s6;
	s13 =	sadd.s32 $0x1600, s2  }
0xb: {  	p0 =	sne.s32 s4, $0x0;
	p1 =	seq.s32 s4, $0x0;
	s4 =	simm.s32 $0x1C700  }
0xc: {  	s7 =	sshll.u32 s3, $0x7;
	s21 =	ssub.s32 $0x2, s3;
	_ =	strace $0x80000047  }
0xd: {  	s3 =	sshll.u32 s3, $0xB;
	s5 =	sor.u32 s7, s5;
	s9 =	sshrl.u32 s21, $0x1  }
0xe: {  	s8 =	sshrl.u32 s5, $0x3;
	s9 =	ssub.s32 s21, s9;
	s12 =	sshll.u32 s5, $0x4  }
0xf: {  	s17 =	sor.u32 $0x30, s5;
	s7 =	sor.u32 $0x50, s5;
	s24 =	sor.u32 $0x60, s5  }
0x10: {  	s25 =	sor.u32 $0x70, s5;
	s21 =	simm.s32 $0x1E900;
	s2 =	sadd.s32 s8, s2  }
0x11: {  	v0 =	vimm.s32 $0xFFEDCBA9;
	s22 =	sadd.s32 s10, s8;
	s23 =	sadd.s32 s0, s12;
	[dreg:$0xb] =	wrdreg s24  }
0x12: {  	v2 =	vunpack.c.l.s4.s8 v0;
	v0 =	vlaneseq.u32;
	s0 =	sadd.s32 s0, s3;
	s10 =	sadd.s32 s5, s11;
	[dreg:$0xc] =	wrdreg s25  }
0x13: {  	v1 =	vimm.s32 $0x87654321;
	s3 =	sor.u32 $0x20, s5;
	s8 =	sor.u32 $0x40, s5;
	v4 =	vor.u32 s17, v0;
	s17 =	rddreg [dreg:$0x2]  }
0x14: {  	v1 =	vunpack.c.l.s4.s8 v1;
	s12 =	sadd.s32 s13, s12;
	s14 =	smax.u32 s9, $0x1;
	[dreg:$0x8] =	wrdreg s22  }
0x15: {  	s24 =	simm.s32 $0x1E930;
	s25 =	simm.s32 $0x1E940;
	[dreg:$0x9] =	wrdreg s23  }
.Ltmp0:
0x16: {  	v6 =	vunpack.c.0.s8.s32 v2;
	v7 =	vunpack.c.0.s8.s32 v1;
	[dreg:$0xa] =	wrdreg s0;
	s0 =	sor.u32 $0x10, s5;
	(pc) =	sbr.rel .LBB2_1-.Ltmp0, $4  }
0x17: {  	vm0 =	vcmask $0x3F3C;
	s11 =	sadd.s32 $0x11600, s2;
	s26 =	sshll.u32 s8, $0x4;
	v5 =	vor.u32 s8, v0;
	s8 =	rddreg [dreg:$0x1]  }
0x18: {  	v10 =	vimm.f32 $0.0e+00;
	v9 =	vcombine.low v7, v6;
	v6 =	vor.u32 s7, v0;
	s22 =	simm.s32 $0x1E910;
	s23 =	simm.s32 $0x1E920;
	s7 =	rddreg [dreg:$0xb]  }
0x19: {  	v1 =	vor.u32 s5, v0;
	v3 =	vor.u32 s3, v0;
	s3 =	simm.s32 $0x4;
	s9 =	rddreg [dreg:$0xc];
	s5 =	simm.s32 $0x0;
	v2 =	vor.u32 s0, v0  }
0x1a: {  	s13 =	sadd.s32 s13, s26;
	s26 =	simm.s32 $0x1E950;
	v7 =	vor.u32 s7, v0;
	v8 =	vor.u32 s9, v0;
	s9 =	simm.s32 $0x40;
	v9 =	vand.u32 $0xF, v9  }
.LBB2_2:
0x1b: {  	_ =	strace $0x80000049  }
0x1c: {  	_ =	swait.ge [sflag:s30], $0x4000  }
0x1d: {  	[sflag:s30] =	ssyncset.done $0x0  }
0x1e: {  	s0 =	rddreg [dreg:$0x9];
	[sflag:s30] =	ssyncadd.s32 $0xFFFFC000  }
0x1f: {  	[hbm4b:s0+s6] =	stream.linear.scatter [tilespmem:s18], [sflag:$0x4], $0x4000, $0x200038;
	[tilespmem:$0x1EA80] =	vst v63  }
0x20: {  	_ =	strace $0x90000049  }
.LBB2_8:
0x21: {  	_ =	strace $0x8000004C  }
0x22: {  	[bflag:$0x0] =	sbarrier.arrive $0xFFFF  }
0x23: {  	_ =	strace $0x9000004C  }
0x24: {  	s0 =	simm.s32 $0x1E800;
	_ =	strace $0x8000004D  }
0x25: {  	[tilespmem:s0], [sflag:$0x5] =	stream.linear.gather [spmem:s10], $0x80, $0x200038;
	[tilespmem:$0x1EA80] =	vst v63  }
0x26: {  	_ =	swait.ge [sflag:s16], $0x80  }
0x27: {  	[sflag:s16] =	ssyncset.done $0x0  }
0x28: {  	[sflag:s16] =	ssyncadd.s32 $0xFFFFFF80  }
0x29: {  	v11 =	vld [tilespmem:$0x1E800];
	_ =	sdelay $0x1  }
0x2a: {  	v12 =	vld [tilespmem:$0x1E810];
	_ =	sdelay $0x1  }
0x2b: {  	v13 =	vld [tilespmem:$0x1E820]  }
0x2c: {  	vm1 =	vgt.s32 v11, $0xFFFFFFFF  }
0x2d: {  	v14 =	vld [tilespmem:$0x1E830];
	v11 =	vsel vm1, v11, v1  }
0x2e: {  	[tilespmem:$0x1E780] =	vst v11;
	v11 =	vsel vm1, $0x3F800000, v10;
	vm1 =	vgt.s32 v12, $0xFFFFFFFF  }
0x2f: {  	v60 =	vld [tilespmem:$0x1E840];
	[tilespmem:$0x1E880] =	vst v11;
	v11 =	vsel vm1, v12, v2  }
0x30: {  	[tilespmem:$0x1E790] =	vst v11;
	v11 =	vsel vm1, $0x3F800000, v10;
	vm1 =	vgt.s32 v13, $0xFFFFFFFF  }
0x31: {  	v61 =	vld [tilespmem:$0x1E850];
	[tilespmem:$0x1E890] =	vst v11;
	v11 =	vsel vm1, v13, v3  }
0x32: {  	[tilespmem:$0x1E7A0] =	vst v11;
	v11 =	vsel vm1, $0x3F800000, v10;
	vm1 =	vgt.s32 v14, $0xFFFFFFFF  }
0x33: {  	v62 =	vld [tilespmem:$0x1E860];
	[tilespmem:$0x1E8A0] =	vst v11;
	v11 =	vsel vm1, v14, v4  }
0x34: {  	[tilespmem:$0x1E7B0] =	vst v11;
	v11 =	vsel vm1, $0x3F800000, v10;
	vm1 =	vgt.s32 v60, $0xFFFFFFFF  }
0x35: {  	v63 =	vld [tilespmem:$0x1E870];
	[tilespmem:$0x1E8B0] =	vst v11;
	v11 =	vsel vm1, v60, v5  }
0x36: {  	[tilespmem:$0x1E7C0] =	vst v11;
	v11 =	vsel vm1, $0x3F800000, v10;
	vm1 =	vgt.s32 v61, $0xFFFFFFFF  }
0x37: {  	[tilespmem:$0x1E8C0] =	vst v11;
	v11 =	vsel vm1, v61, v6  }
0x38: {  	[tilespmem:$0x1E7D0] =	vst v11;
	v11 =	vsel vm1, $0x3F800000, v10;
	vm1 =	vgt.s32 v62, $0xFFFFFFFF  }
0x39: {  	[tilespmem:$0x1E8D0] =	vst v11;
	v11 =	vsel vm1, v62, v7  }
0x3a: {  	[tilespmem:$0x1E7E0] =	vst v11;
	v11 =	vsel vm1, $0x3F800000, v10;
	vm1 =	vgt.s32 v63, $0xFFFFFFFF  }
0x3b: {  	[tilespmem:$0x1E8E0] =	vst v11;
	v11 =	vsel vm1, v63, v8  }
0x3c: {  	[tilespmem:$0x1E7F0] =	vst v11;
	v11 =	vsel vm1, $0x3F800000, v10  }
0x3d: {  	[tilespmem:$0x1E8F0] =	vst v11  }
0x3e: {  	_ =	swait.ge [sflag:s3], $0x4000  }
0x3f: {  	[sflag:s3] =	ssyncset.done $0x0  }
0x40: {  	s7 =	simm.s32 $0x1E780;
	[sflag:s3] =	ssyncadd.s32 $0xFFFFC000  }
0x41: {  	[tilespmem:s18], [sflag:$0x1] =	stream.indirect.gather [hbm4b:s8+s9], $0x80, s7, s9, $0x2000b8;
	[tilespmem:$0x1EA80] =	vst v63  }
0x42: {  	s2 =	simm.s32 $0x1E7C0  }
0x43: {  	[tilespmem:s4], [sflag:$0x2] =	stream.indirect.gather [hbm4b:s8+s9], $0x80, s2, s9, $0x2000b8;
	[tilespmem:$0x1EA80] =	vst v63  }
0x44: {  	s7 =	simm.s32 $0x1E880  }
0x45: {  	[hbm4b:s11+s6] =	stream.linear.scatter [tilespmem:s7], [sflag:$0x5], $0x80, $0x200038;
	[tilespmem:$0x1EA80] =	vst v63  }
0x46: {  	_ =	swait.ge [sflag:s16], $0x80  }
0x47: {  	[sflag:s16] =	ssyncset.done $0x0  }
0x48: {  	[sflag:s16] =	ssyncadd.s32 $0xFFFFFF80  }
0x49: {  	_ =	swait.ge [sflag:s30], $0x2000  }
0x4a: {  	[sflag:s30] =	ssyncset.done $0x0  }
0x4b: {  	[sflag:s30] =	ssyncadd.s32 $0xFFFFE000  }
0x4c: {  	[hbm4b:s12+s6] =	stream.linear.scatter [tilespmem:s18], [sflag:$0x3], $0x2000, $0x200038;
	[tilespmem:$0x1EA80] =	vst v63  }
0x4d: {  	_ =	swait.ge [sflag:s19], $0x2000  }
0x4e: {  	[sflag:s19] =	ssyncset.done $0x0  }
0x4f: {  	[sflag:s19] =	ssyncadd.s32 $0xFFFFE000  }
0x50: {  	[hbm4b:s13+s6] =	stream.linear.scatter [tilespmem:s4], [sflag:$0x4], $0x2000, $0x200038;
	[tilespmem:$0x1EA80] =	vst v63  }
0x51: {  	s5 =	sadd.s32 $0x1, s5;
	_ =	swait.ge [sflag:s20], $0x2000  }
0x52: {  	p2 =	sne.s32 s5, s14;
	[sflag:s20] =	ssyncset.done $0x0  }
.Ltmp1:
0x53: {  	[sflag:s20] =	ssyncadd.s32 $0xFFFFE000;
	(pc) =	sbr.rel @!p2 .LBB2_9-.Ltmp1, $4  }
0x54: {  	_ =	swait.ge [sflag:s3], $0x2000  }
0x55: {  	[sflag:s3] =	ssyncset.done $0x0  }
0x56: {  	[sflag:s3] =	ssyncadd.s32 $0xFFFFE000  }
0x57: {  	_ =	strace $0x9000004D  }
.LBB2_1:
0x58: {  	s0 =	simm.s32 @!p0 $0x0;
	s2 =	simm.s32 @!p0 $0x18700  }
0x59: {  	[tilespmem:s2], [sflag:$0x2] =	stream.linear.gather @!p0 [hbm4b:s17+s0], $0x1000, $0x38;
	[tilespmem:$0x1EA80] =	vst v63  }
0x5a: {  	s7 =	rddreg [dreg:$0x3];
	s2 =	simm.s32 @!p0 $0x19700  }
0x5b: {  	[tilespmem:s2], [sflag:$0x3] =	stream.linear.gather @!p0 [hbm4b:s7+s0], $0x1000, $0x38;
	[tilespmem:$0x1EA80] =	vst v63  }
0x5c: {  	_ =	strace $0x80000048  }
0x5d: {  	s2 =	rddreg [dreg:$0x8]  }
0x5e: {  	[tilespmem:s15], [sflag:$0x5] =	stream.linear.gather [hbm4b:s2+s6], $0x80, $0x200038;
	[tilespmem:$0x1EA80] =	vst v63  }
.Ltmp2:
0x5f: {  	_ =	swait.ge [sflag:s16], $0x80;
	(pc) =	sbr.rel @!p1 .LBB2_2-.Ltmp2, $4  }
0x60: {  	[sflag:s16] =	ssyncset.done $0x0  }
0x61: {  	s7 =	simm.s32 $0x80;
	[sflag:s16] =	ssyncadd.s32 $0xFFFFFF80  }
0x62: {  	[tilespmem:s18], [sflag:$0x1] =	stream.indirect.gather [hbm4b:s1+s7], $0x80, s15, s7, $0x2000b8;
	[tilespmem:$0x1EA80] =	vst v63  }
0x63: {  	_ =	strace $0x90000048  }
0x64: {  	_ =	strace $0x8000004A  }
0x65: {  	_ =	swait.ge [sflag:s19], $0x1000  }
0x66: {  	[sflag:s19] =	ssyncset.done $0x0  }
0x67: {  	[sflag:s19] =	ssyncadd.s32 $0xFFFFF000  }
0x68: {  	_ =	swait.ge [sflag:s20], $0x1000  }
0x69: {  	[sflag:s20] =	ssyncset.done $0x0  }
0x6a: {  	s0 =	simm.s32 $0x0;
	s2 =	simm.s32 $0x18740;
	[sflag:s20] =	ssyncadd.s32 $0xFFFFF000  }
.LBB2_4:
0x6b: {  	v11 =	vld [tilespmem:s2+$0xFFFFFFC0]  }
0x6c: {  	v12 =	vld [tilespmem:s2+$0xFFFFFFD0]  }
0x6d: {  	s8 =	sadd.s32 $0x10, s0;
	v13 =	vld [tilespmem:s2+$0xFFFFFFE0]  }
0x6e: {  	s17 =	sadd.s32 $0x20, s0;
	s7 =	sadd.s32 $0x40, s0;
	s1 =	sadd.s32 $0x50, s0;
	v16 =	vld [tilespmem:s2+$0xFFFFFFF0];
	v21 =	vor.u32 s0, v0;
	v14 =	vor.u32 s8, v0  }
0x6f: {  	v20 =	vld [tilespmem:s2+$0x0];
	v15 =	vor.u32 s17, v0;
	s17 =	sadd.s32 $0x30, s0;
	v18 =	vor.u32 s7, v0;
	v19 =	vor.u32 s1, v0;
	s8 =	sadd.s32 $0x60, s0  }
0x70: {  	v23 =	vld [tilespmem:s2+$0x10];
	v17 =	vor.u32 s17, v0;
	s17 =	sadd.s32 $0x70, s0;
	v22 =	vor.u32 s8, v0;
	v11 =	vshll.u32 v11, $0xC  }
0x71: {  	v25 =	vld [tilespmem:s2+$0x20];
	v24 =	vor.u32 s17, v0;
	v12 =	vshll.u32 v12, $0xC;
	v11 =	vadd.s32 v21, v11  }
0x72: {  	v26 =	vld [tilespmem:s2+$0x30];
	v13 =	vshll.u32 v13, $0xC;
	v12 =	vadd.s32 v14, v12;
	v11 =	vxor.u32 $0x80000000, v11  }
0x73: {  	v36 =	vshll.u32 v16, $0xC;
	v35 =	vadd.s32 v15, v13;
	(xrf1) =	vsort.ascd.msk.u32 $0xffff, v11, v21;
	v11 =	vxor.u32 $0x80000000, v12  }
0x74: {  	v38 =	vshll.u32 v20, $0xC;
	v37 =	vadd.s32 v17, v36;
	(xrf1) =	vsort.ascd.msk.u32 $0xffff, v11, v14;
	v11 =	vxor.u32 $0x80000000, v35  }
0x75: {  	v40 =	vshll.u32 v23, $0xC;
	v39 =	vadd.s32 v18, v38;
	(xrf1) =	vsort.ascd.msk.u32 $0xffff, v11, v15;
	v11 =	vxor.u32 $0x80000000, v37  }
0x76: {  	v42 =	vshll.u32 v25, $0xC;
	v41 =	vadd.s32 v19, v40;
	(xrf1) =	vsort.ascd.msk.u32 $0xffff, v11, v17;
	v11 =	vxor.u32 $0x80000000, v39  }
0x77: {  	v44 =	vshll.u32 v26, $0xC;
	v43 =	vadd.s32 v22, v42;
	(xrf1) =	vsort.ascd.msk.u32 $0xffff, v11, v18;
	v11 =	vxor.u32 $0x80000000, v41  }
0x78: {  	v45 =	vadd.s32 v24, v44;
	(xrf1) =	vsort.ascd.msk.u32 $0xffff, v11, v19;
	v11 =	vxor.u32 $0x80000000, v43  }
0x79: {  	(xrf1) =	vsort.ascd.msk.u32 $0xffff, v11, v22;
	v11 =	vxor.u32 $0x80000000, v45  }
0x7a: {  	(xrf1) =	vsort.ascd.msk.u32 $0xffff, v11, v24;
	_ =	sdelay $0x6  }
0x7b: {  	v11, v12, _ =	vpop (xrf1)  }
0x7c: {  	v46, v14, _ =	vpop (xrf1);
	v11 =	vxor.u32 $0x80000000, v11  }
0x7d: {  	v15, v47, _ =	vpop (xrf1);
	v13 =	vxor.u32 $0x80000000, v46;
	[tilespmem:$0x1E900] =	vst v11  }
0x7e: {  	v17, v48, _ =	vpop (xrf1);
	v15 =	vxor.u32 $0x80000000, v15;
	[tilespmem:$0x1E910] =	vst v13  }
0x7f: {  	v50, v49, _ =	vpop (xrf1);
	v17 =	vxor.u32 $0x80000000, v17;
	[tilespmem:$0x1E920] =	vst v15  }
0x80: {  	v51, v52, _ =	vpop (xrf1);
	v19 =	vxor.u32 $0x80000000, v50;
	[tilespmem:$0x1E930] =	vst v17  }
0x81: {  	v53, v54, _ =	vpop (xrf1);
	v21 =	vxor.u32 $0x80000000, v51;
	[tilespmem:$0x1E940] =	vst v19  }
0x82: {  	v23 =	vxor.u32 $0x80000000, v53;
	v55, v56, _ =	vpop (xrf1);
	[tilespmem:$0x1E950] =	vst v21  }
0x83: {  	v25 =	vxor.u32 $0x80000000, v55;
	[tilespmem:$0x1E960] =	vst v23  }
0x84: {  	[tilespmem:$0x1E970] =	vst v25  }
0x85: {  	v27 =	vld.idx.msk [tilespmem:v9+s21+$0x0], $0xffff  }
0x86: {  	v28 =	vld.idx.msk [tilespmem:v9+s22+$0x0], $0xffff  }
0x87: {  	v29 =	vld.idx.msk [tilespmem:v9+s23+$0x0], $0xffff  }
0x88: {  	v11 =	vshra.s32 v11, $0xC;
	v13 =	vshra.s32 v13, $0xC;
	v30 =	vld.idx.msk [tilespmem:v9+s24+$0x0], $0xffff  }
0x89: {  	v15 =	vshra.s32 v15, $0xC;
	v17 =	vshra.s32 v17, $0xC;
	v19 =	vshra.s32 v19, $0xC;
	v31 =	vld.idx.msk [tilespmem:v9+s25+$0x0], $0xffff  }
0x8a: {  	v21 =	vshra.s32 v21, $0xC;
	v23 =	vshra.s32 v23, $0xC;
	v32 =	vld.idx.msk [tilespmem:v9+s26+$0x0], $0xffff;
	v27 =	vshra.s32 v27, $0xC  }
0x8b: {  	v25 =	vshra.s32 v25, $0xC;
	v59 =	vld.idx.msk [tilespmem:v9+s28+$0x0], $0xffff;
	v57 =	vshra.s32 v28, $0xC;
	vm1 =	vne.s32 v11, v27  }
0x8c: {  	v60 =	vld.idx.msk [tilespmem:v9+s29+$0x0], $0xffff;
	v58 =	vshra.s32 v29, $0xC;
	vm2 =	vne.s32 v13, v57;
	vm1 =	vmor vm1, vm0  }
0x8d: {  	v61 =	vshra.s32 v30, $0xC;
	vm3 =	vne.s32 v15, v58;
	vm2 =	vmor vm2, vm0  }
0x8e: {  	v62 =	vshra.s32 v31, $0xC;
	vm4 =	vne.s32 v17, v61;
	vm3 =	vmor vm3, vm0  }
0x8f: {  	v63 =	vshra.s32 v32, $0xC;
	vm5 =	vne.s32 v19, v62;
	vm4 =	vmor vm4, vm0  }
0x90: {  	v28 =	vshra.s32 v59, $0xC;
	vm6 =	vne.s32 v21, v63;
	vm5 =	vmor vm5, vm0  }
0x91: {  	vm7 =	vne.s32 v23, v28;
	v27 =	vshra.s32 v60, $0xC;
	vm6 =	vmor vm6, vm0  }
0x92: {  	vm15 =	vne.s32 v25, v27;
	[tilespmem:v11+s6+$0x0] =	vst.idx.msk vm1, v12;
	vm1 =	vmor vm7, vm0  }
0x93: {  	[tilespmem:v13+s6+$0x0] =	vst.idx.msk vm2, v14;
	vm2 =	vmor vm15, vm0  }
0x94: {  	p2 =	sne.s32 s0, $0xF80;
	[tilespmem:v15+s6+$0x0] =	vst.idx.msk vm3, v47  }
.Ltmp3:
0x95: {  	[tilespmem:v17+s6+$0x0] =	vst.idx.msk vm4, v48;
	(pc) =	sbr.rel @p2 .LBB2_4-.Ltmp3, $4  }
0x96: {  	[tilespmem:v19+s6+$0x0] =	vst.idx.msk vm5, v49  }
0x97: {  	[tilespmem:v21+s6+$0x0] =	vst.idx.msk vm6, v52  }
0x98: {  	[tilespmem:v23+s6+$0x0] =	vst.idx.msk vm1, v54  }
0x99: {  	s2 =	sadd.s32 $0x80, s2;
	s0 =	sadd.s32 $0x80, s0;
	[tilespmem:v25+s6+$0x0] =	vst.idx.msk vm2, v56  }
0x9a: {  	_ =	strace $0x8000004B  }
0x9b: {  	_ =	swait.ge [sflag:s30], $0x4000  }
0x9c: {  	[sflag:s30] =	ssyncset.done $0x0  }
0x9d: {  	s0 =	simm.s32 $0x0;
	s1 =	rddreg [dreg:$0xa];
	[sflag:s30] =	ssyncadd.s32 $0xFFFFC000  }
0x9e: {  	[hbm4b:s1+s0] =	stream.linear.scatter [tilespmem:s18], [sflag:$0x4], $0x4000, $0x200038;
	[tilespmem:$0x1EA80] =	vst v63  }
0x9f: {  	s0 =	simm.s32 $0x0;
	_ =	strace $0x9000004B  }
0xa0: {  	v23 =	vld [tilespmem:s0+$0x19770]  }
0xa1: {  	v24 =	vld [tilespmem:s0+$0x19750]  }
0xa2: {  	v28 =	vld [tilespmem:s0+$0x19760]  }
0xa3: {  	v18 =	vld [tilespmem:s0+$0x19740]  }
0xa4: {  	v16 =	vld [tilespmem:s0+$0x19720]  }
0xa5: {  	v13 =	vld [tilespmem:s0+$0x19710]  }
0xa6: {  	v12 =	vld [tilespmem:s0+$0x19730]  }
0xa7: {  	v11 =	vld [tilespmem:s0+$0x19700]  }
0xa8: {  	v29 =	vld.idx.msk [tilespmem:v23+s6+$0x0], $0xffff  }
0xa9: {  	v22 =	vld.idx.msk [tilespmem:v24+s6+$0x0], $0xffff  }
0xaa: {  	v21 =	vld.idx.msk [tilespmem:v28+s6+$0x0], $0xffff  }
0xab: {  	v20 =	vld.idx.msk [tilespmem:v18+s6+$0x0], $0xffff  }
0xac: {  	v19 =	vld.idx.msk [tilespmem:v16+s6+$0x0], $0xffff  }
0xad: {  	v17 =	vld.idx.msk [tilespmem:v13+s6+$0x0], $0xffff;
	vm1 =	vgt.s32 v29, $0x0  }
0xae: {  	v15 =	vld.idx.msk [tilespmem:v12+s6+$0x0], $0xffff;
	vm2 =	vgt.s32 v22, $0x0;
	v25 =	vnsel vm1, $0x0, v29  }
0xaf: {  	v14 =	vld.idx.msk [tilespmem:v11+s6+$0x0], $0xffff;
	v26 =	vnsel vm2, $0x0, v22;
	vm1 =	vgt.s32 v21, $0x0;
	v25 =	vmin.u32 v25, $0xFFF  }
0xb0: {  	vm2 =	vgt.s32 v20, $0x0;
	v26 =	vmin.u32 v26, $0xFFF;
	v27 =	vnsel vm1, $0x0, v21  }
0xb1: {  	vm1 =	vgt.s32 v19, $0x0;
	v30 =	vnsel vm2, $0x0, v20;
	v27 =	vmin.u32 v27, $0xFFF  }
0xb2: {  	vm2 =	vgt.s32 v17, $0x0;
	v31 =	vnsel vm1, $0x0, v19;
	v30 =	vmin.u32 v30, $0xFFF  }
0xb3: {  	v32 =	vnsel vm2, $0x0, v17;
	vm1 =	vgt.s32 v15, $0x0;
	v31 =	vmin.u32 v31, $0xFFF  }
0xb4: {  	vm2 =	vgt.s32 v14, $0x0;
	v32 =	vmin.u32 v32, $0xFFF;
	v33 =	vnsel vm1, $0x0, v15;
	v34 =	vld.idx.msk [tilespmem:v25+s31+$0x0], $0xffff  }
0xb5: {  	v33 =	vmin.u32 v33, $0xFFF;
	v25 =	vnsel vm2, $0x0, v14;
	v35 =	vld.idx.msk [tilespmem:v26+s31+$0x0], $0xffff  }
0xb6: {  	v36 =	vmin.u32 v25, $0xFFF;
	v37 =	vld.idx.msk [tilespmem:v27+s31+$0x0], $0xffff  }
0xb7: {  	vm4 =	vlt.u32 v20, $0x1000;
	vm3 =	vlt.u32 v17, $0x1000;
	v27 =	vld.idx.msk [tilespmem:v30+s31+$0x0], $0xffff  }
0xb8: {  	vm5 =	vlt.u32 v19, $0x1000;
	vm6 =	vlt.u32 v21, $0x1000;
	vm7 =	vlt.u32 v22, $0x1000;
	v26 =	vld.idx.msk [tilespmem:v31+s31+$0x0], $0xffff  }
0xb9: {  	vm8 =	vlt.u32 v29, $0x1000;
	vm1 =	vlt.u32 v15, $0x1000;
	v25 =	vld.idx.msk [tilespmem:v32+s31+$0x0], $0xffff;
	vm9 =	veq.s32 v34, v23  }
0xba: {  	vm2 =	vlt.u32 v14, $0x1000;
	v23 =	vld.idx.msk [tilespmem:v33+s31+$0x0], $0xffff;
	vm10 =	veq.s32 v35, v24;
	vm9 =	vmand vm8, vm9  }
0xbb: {  	s17 =	simm.s32 $0x200;
	s2 =	simm.s32 $0x400;
	v24 =	vld.idx.msk [tilespmem:v36+s31+$0x0], $0xffff;
	vm8 =	vmand vm7, vm10;
	vm7 =	veq.s32 v37, v28;
	v28 =	vnsel vm9, $0xFFFFFFFF, v29  }
.LBB2_6:
0xbc: {  	p2 =	sne.s32 s2, $0x3E00  }
0xbd: {  	s1 =	sshra.s32 s17, $0x2;
	vm9 =	veq.s32 v27, v18;
	v18 =	vnsel vm8, $0xFFFFFFFF, v22;
	vm6 =	vmand vm6, vm7;
	[tilespmem:s0+$0x19770] =	vst v28;
	s17 =	smov.u32 s2;
	s2 =	sadd.s32 $0x200, s2  }
0xbe: {  	vm7 =	veq.s32 v26, v16;
	v28 =	vld [tilespmem:s1+$0x19770];
	vm4 =	vmand vm4, vm9;
	[tilespmem:s0+$0x19750] =	vst v18;
	v16 =	vnsel vm6, $0xFFFFFFFF, v21  }
0xbf: {  	vm6 =	veq.s32 v25, v13;
	vm5 =	vmand vm5, vm7;
	v29 =	vld [tilespmem:s1+$0x19750];
	v13 =	vnsel vm4, $0xFFFFFFFF, v20;
	[tilespmem:s0+$0x19760] =	vst v16  }
0xc0: {  	vm3 =	vmand vm3, vm6;
	v16 =	vnsel vm5, $0xFFFFFFFF, v19;
	vm4 =	veq.s32 v23, v12;
	v30 =	vld [tilespmem:s1+$0x19760];
	[tilespmem:s0+$0x19740] =	vst v13  }
0xc1: {  	vm5 =	veq.s32 v24, v11;
	v11 =	vnsel vm3, $0xFFFFFFFF, v17;
	vm1 =	vmand vm1, vm4;
	v18 =	vld [tilespmem:s1+$0x19740];
	[tilespmem:s0+$0x19720] =	vst v16  }
0xc2: {  	vm2 =	vmand vm2, vm5;
	v16 =	vld [tilespmem:s1+$0x19720];
	[tilespmem:s0+$0x19710] =	vst v11;
	v11 =	vnsel vm1, $0xFFFFFFFF, v15  }
0xc3: {  	v14 =	vnsel vm2, $0xFFFFFFFF, v14;
	v13 =	vld [tilespmem:s1+$0x19710];
	[tilespmem:s0+$0x19730] =	vst v11  }
0xc4: {  	v12 =	vld [tilespmem:s1+$0x19730];
	[tilespmem:s0+$0x19700] =	vst v14;
	s0 =	smov.u32 s1  }
0xc5: {  	v11 =	vld [tilespmem:s0+$0x19700]  }
0xc6: {  	v31 =	vld.idx.msk [tilespmem:v28+s6+$0x0], $0xffff  }
0xc7: {  	v22 =	vld.idx.msk [tilespmem:v29+s6+$0x0], $0xffff  }
0xc8: {  	v21 =	vld.idx.msk [tilespmem:v30+s6+$0x0], $0xffff  }
0xc9: {  	v20 =	vld.idx.msk [tilespmem:v18+s6+$0x0], $0xffff  }
0xca: {  	v19 =	vld.idx.msk [tilespmem:v16+s6+$0x0], $0xffff  }
0xcb: {  	v17 =	vld.idx.msk [tilespmem:v13+s6+$0x0], $0xffff  }
0xcc: {  	vm1 =	vgt.s32 v31, $0x0;
	v15 =	vld.idx.msk [tilespmem:v12+s6+$0x0], $0xffff  }
0xcd: {  	vm2 =	vgt.s32 v22, $0x0;
	v23 =	vnsel vm1, $0x0, v31;
	v14 =	vld.idx.msk [tilespmem:v11+s6+$0x0], $0xffff  }
0xce: {  	v24 =	vnsel vm2, $0x0, v22;
	vm1 =	vgt.s32 v21, $0x0;
	v23 =	vmin.u32 v23, $0xFFF  }
0xcf: {  	vm2 =	vgt.s32 v20, $0x0;
	v24 =	vmin.u32 v24, $0xFFF;
	v25 =	vnsel vm1, $0x0, v21  }
0xd0: {  	vm1 =	vgt.s32 v19, $0x0;
	v26 =	vnsel vm2, $0x0, v20;
	v25 =	vmin.u32 v25, $0xFFF  }
0xd1: {  	vm2 =	vgt.s32 v17, $0x0;
	v27 =	vnsel vm1, $0x0, v19;
	v26 =	vmin.u32 v26, $0xFFF  }
0xd2: {  	v32 =	vnsel vm2, $0x0, v17;
	v33 =	vmin.u32 v27, $0xFFF;
	vm1 =	vgt.s32 v15, $0x0  }
0xd3: {  	vm2 =	vgt.s32 v14, $0x0;
	v32 =	vmin.u32 v32, $0xFFF;
	v27 =	vnsel vm1, $0x0, v15;
	v34 =	vld.idx.msk [tilespmem:v23+s31+$0x0], $0xffff  }
0xd4: {  	vm4 =	vlt.u32 v20, $0x1000;
	v23 =	vnsel vm2, $0x0, v14;
	v35 =	vmin.u32 v27, $0xFFF;
	v36 =	vld.idx.msk [tilespmem:v24+s31+$0x0], $0xffff  }
0xd5: {  	v24 =	vmin.u32 v23, $0xFFF;
	v37 =	vld.idx.msk [tilespmem:v25+s31+$0x0], $0xffff  }
0xd6: {  	v27 =	vld.idx.msk [tilespmem:v26+s31+$0x0], $0xffff  }
.Ltmp4:
0xd7: {  	vm1 =	vlt.u32 v15, $0x1000;
	v26 =	vld.idx.msk [tilespmem:v33+s31+$0x0], $0xffff;
	(pc) =	sbr.rel @p2 .LBB2_6-.Ltmp4, $4  }
0xd8: {  	vm6 =	vlt.u32 v21, $0x1000;
	vm5 =	vlt.u32 v19, $0x1000;
	vm3 =	vlt.u32 v17, $0x1000;
	v25 =	vld.idx.msk [tilespmem:v32+s31+$0x0], $0xffff  }
0xd9: {  	vm8 =	vlt.u32 v31, $0x1000;
	vm7 =	vlt.u32 v22, $0x1000;
	vm9 =	veq.s32 v34, v28;
	v23 =	vld.idx.msk [tilespmem:v35+s31+$0x0], $0xffff  }
0xda: {  	vm2 =	vlt.u32 v14, $0x1000;
	vm10 =	veq.s32 v36, v29;
	vm9 =	vmand vm8, vm9;
	v24 =	vld.idx.msk [tilespmem:v24+s31+$0x0], $0xffff  }
0xdb: {  	vm8 =	vmand vm7, vm10;
	vm7 =	veq.s32 v37, v30;
	v28 =	vnsel vm9, $0xFFFFFFFF, v31  }
0xdc: {  	s2 =	sshra.s32 s17, $0x2;
	[tilespmem:s0+$0x19770] =	vst v28;
	v22 =	vnsel vm8, $0xFFFFFFFF, v22;
	vm6 =	vmand vm6, vm7;
	vm14 =	veq.s32 v27, v18  }
0xdd: {  	vm15 =	veq.s32 v26, v16;
	v28 =	vld [tilespmem:s2+$0x19770];
	[tilespmem:s0+$0x19750] =	vst v22;
	v42 =	vnsel vm6, $0xFFFFFFFF, v21;
	vm4 =	vmand vm4, vm14  }
0xde: {  	vm9 =	vmand vm5, vm15;
	vm10 =	veq.s32 v25, v13;
	v43 =	vld [tilespmem:s2+$0x19750];
	[tilespmem:s0+$0x19760] =	vst v42;
	v44 =	vnsel vm4, $0xFFFFFFFF, v20  }
0xdf: {  	v45 =	vnsel vm9, $0xFFFFFFFF, v19;
	vm3 =	vmand vm3, vm10;
	vm11 =	veq.s32 v23, v12;
	v18 =	vld [tilespmem:s2+$0x19760];
	[tilespmem:s0+$0x19740] =	vst v44  }
0xe0: {  	v46 =	vnsel vm3, $0xFFFFFFFF, v17;
	vm1 =	vmand vm1, vm11;
	vm3 =	veq.s32 v24, v11;
	v16 =	vld [tilespmem:s2+$0x19740];
	[tilespmem:s0+$0x19720] =	vst v45  }
0xe1: {  	v11 =	vnsel vm1, $0xFFFFFFFF, v15;
	vm1 =	vmand vm2, vm3;
	v13 =	vld [tilespmem:s2+$0x19720];
	[tilespmem:s0+$0x19710] =	vst v46  }
0xe2: {  	v12 =	vld [tilespmem:s2+$0x19710];
	[tilespmem:s0+$0x19730] =	vst v11;
	v11 =	vnsel vm1, $0xFFFFFFFF, v14  }
0xe3: {  	v47 =	vld [tilespmem:s2+$0x19730];
	[tilespmem:s0+$0x19700] =	vst v11  }
0xe4: {  	v11 =	vld [tilespmem:s2+$0x19700]  }
0xe5: {  	v48 =	vld.idx.msk [tilespmem:v28+s6+$0x0], $0xffff  }
0xe6: {  	v49 =	vld.idx.msk [tilespmem:v43+s6+$0x0], $0xffff  }
0xe7: {  	v50 =	vld.idx.msk [tilespmem:v18+s6+$0x0], $0xffff  }
0xe8: {  	v51 =	vld.idx.msk [tilespmem:v16+s6+$0x0], $0xffff  }
0xe9: {  	v22 =	vld.idx.msk [tilespmem:v13+s6+$0x0], $0xffff  }
0xea: {  	v52 =	vld.idx.msk [tilespmem:v12+s6+$0x0], $0xffff;
	vm1 =	vgt.s32 v48, $0x0  }
0xeb: {  	v53 =	vld.idx.msk [tilespmem:v47+s6+$0x0], $0xffff;
	vm2 =	vgt.s32 v49, $0x0;
	v54 =	vnsel vm1, $0x0, v48  }
0xec: {  	v55 =	vld.idx.msk [tilespmem:v11+s6+$0x0], $0xffff;
	v56 =	vnsel vm2, $0x0, v49;
	vm1 =	vgt.s32 v50, $0x0;
	v25 =	vmin.u32 v54, $0xFFF  }
0xed: {  	vm2 =	vgt.s32 v51, $0x0;
	v27 =	vmin.u32 v56, $0xFFF;
	v29 =	vnsel vm1, $0x0, v50  }
0xee: {  	vm1 =	vgt.s32 v22, $0x0;
	v30 =	vnsel vm2, $0x0, v51;
	v29 =	vmin.u32 v29, $0xFFF  }
0xef: {  	vm2 =	vgt.s32 v52, $0x0;
	v31 =	vnsel vm1, $0x0, v22;
	v30 =	vmin.u32 v30, $0xFFF  }
0xf0: {  	v32 =	vnsel vm2, $0x0, v52;
	v31 =	vmin.u32 v31, $0xFFF;
	vm1 =	vgt.s32 v53, $0x0  }
0xf1: {  	vm2 =	vgt.s32 v55, $0x0;
	v32 =	vmin.u32 v32, $0xFFF;
	v33 =	vnsel vm1, $0x0, v53;
	v25 =	vld.idx.msk [tilespmem:v25+s31+$0x0], $0xffff  }
0xf2: {  	v34 =	vnsel vm2, $0x0, v55;
	v33 =	vmin.u32 v33, $0xFFF;
	v27 =	vld.idx.msk [tilespmem:v27+s31+$0x0], $0xffff  }
0xf3: {  	v34 =	vmin.u32 v34, $0xFFF;
	v29 =	vld.idx.msk [tilespmem:v29+s31+$0x0], $0xffff  }
0xf4: {  	vm13 =	vlt.u32 v48, $0x1000;
	vm12 =	vlt.u32 v49, $0x1000;
	v30 =	vld.idx.msk [tilespmem:v30+s31+$0x0], $0xffff  }
0xf5: {  	vm5 =	vlt.u32 v50, $0x1000;
	vm4 =	vlt.u32 v22, $0x1000;
	vm3 =	vlt.u32 v52, $0x1000;
	v31 =	vld.idx.msk [tilespmem:v31+s31+$0x0], $0xffff  }
0xf6: {  	vm1 =	vlt.u32 v53, $0x1000;
	vm9 =	vlt.u32 v55, $0x1000;
	v32 =	vld.idx.msk [tilespmem:v32+s31+$0x0], $0xffff;
	vm14 =	veq.s32 v25, v28  }
0xf7: {  	vm2 =	vlt.u32 v51, $0x1000;
	v57 =	vld.idx.msk [tilespmem:v33+s31+$0x0], $0xffff;
	vm10 =	veq.s32 v27, v43;
	vm7 =	vmand vm13, vm14  }
0xf8: {  	v58 =	vld.idx.msk [tilespmem:v34+s31+$0x0], $0xffff;
	vm6 =	vmand vm12, vm10;
	vm15 =	veq.s32 v29, v18;
	v15 =	vnsel vm7, $0xFFFFFFFF, v48  }
0xf9: {  	vm12 =	veq.s32 v30, v16;
	v59 =	vnsel vm6, $0xFFFFFFFF, v49;
	vm5 =	vmand vm5, vm15;
	[tilespmem:s2+$0x19770] =	vst v15  }
0xfa: {  	vm13 =	veq.s32 v31, v13;
	vm2 =	vmand vm2, vm12;
	[tilespmem:s2+$0x19750] =	vst v59;
	v60 =	vnsel vm5, $0xFFFFFFFF, v50  }
0xfb: {  	vm14 =	veq.s32 v32, v12;
	vm4 =	vmand vm4, vm13;
	v61 =	vnsel vm2, $0xFFFFFFFF, v51;
	[tilespmem:s2+$0x19760] =	vst v60  }
0xfc: {  	vm2 =	vmand vm3, vm14;
	v62 =	vnsel vm4, $0xFFFFFFFF, v22;
	vm3 =	veq.s32 v57, v47;
	[tilespmem:s2+$0x19740] =	vst v61  }
0xfd: {  	vm15 =	veq.s32 v58, v11;
	v11 =	vnsel vm2, $0xFFFFFFFF, v52;
	[tilespmem:s2+$0x19720] =	vst v62;
	vm1 =	vmand vm1, vm3  }
0xfe: {  	vm2 =	vmand vm9, vm15;
	[tilespmem:s2+$0x19710] =	vst v11;
	v11 =	vnsel vm1, $0xFFFFFFFF, v53  }
0xff: {  	v63 =	vnsel vm2, $0xFFFFFFFF, v55;
	[tilespmem:s2+$0x19730] =	vst v11  }
0x100: {  	s17 =	rddreg [dreg:$0x6];
	s1 =	simm.s32 $0x19700;
	[tilespmem:s2+$0x19700] =	vst v63  }
0x101: {  	[spmem:s17] =	stream.linear.scatter [tilespmem:s1], [sflag:$0x5], $0x1000, $0x200038;
	[tilespmem:$0x1EA80] =	vst v63  }
0x102: {  	_ =	swait.ge [sflag:s16], $0x1000  }
0x103: {  	[sflag:s16] =	ssyncset.done $0x0  }
.Ltmp5:
0x104: {  	[sflag:s16] =	ssyncadd.s32 $0xFFFFF000;
	(pc) =	sbr.rel .LBB2_8-.Ltmp5, $4  }
0x105: {  	_ =	strace $0x9000004A  }
0x106: {  	s1 =	rddreg [dreg:$0x0]  }
0x107: {  	s8 =	rddreg [dreg:$0x1]  }
0x108: {  	s17 =	rddreg [dreg:$0x2]  }
.LBB2_9:
0x109: {  	_ =	sfence.sel $0x180000  }
0x10a: {  	[bflag:$0x0] =	sbarrier.arrive $0xFFFF  }
0x10b: {  	_ =	strace $0x90000047  }
0x10c: {  	[bflag:$0x2] =	sbarrier.arrive $0xFFFF  }
0x10d: {  	s0 =	rddreg [dreg:$0x7]  }
0x10e: {  	s0 =	sadd.s32 @!p0 $0x100000, s0  }
0x10f: {  	[sflag:s0] =	ssyncadd.tile.s32 @!p0 $0x1;
	_ =	shalt  }
.Lfunc_end2:
_tile_overlayer_lowered:
.L_overlay_start_2:
0x110: {  	(tag) =	ssettag $0x2  }
0x111: {  	s0 =	rddreg [dreg:$0x0];
	s2 =	stileid.u32  }
0x112: {  	s1 =	rddreg [dreg:$0x1];
	p0 =	sne.s32 s2, $0x0  }
0x113: {  	s3 =	rddreg [dreg:$0x2];
	[bflag:$0x3] =	sbarrier.arrive $0xFFFF;
	s2 =	simm.s32 @!p0 $0x1C05  }
0x114: {  	[timem:s3], [sflag:s2] =	dma.local @!p0 [hbm:s0], s1  }
0x115: {  	s0 =	simm.s32 @!p0 $0x5  }
0x116: {  	_ =	swait.ge @!p0 [sflag:s0], s1  }
0x117: {  	s1 =	ssub.s32 @!p0 $0x0, s1;
	[sflag:s0] =	ssyncset.done @!p0 $0x0  }
0x118: {  	[sflag:s0] =	ssyncadd.s32 @!p0 s1  }
0x119: {  	[bflag:$0x3] =	sbarrier.arrive $0xFFFF  }
0x11a: {  	_ =	shalt  }

</sc_bundles>
